<compile_context>
chip_gen: v7x
topology: tpu7x:2x2x1
jax: 0.10.2.dev20260603
libtpu: 0.0.44.dev20260713+nightly
codegen_flags: <defaults>
</compile_context>

<pallas_src>
import functools

import jax
import jax.numpy as jnp
from jax import lax
from jax.experimental import pallas as pl
from jax.experimental.pallas import tpu as pltpu
from jax.experimental.pallas import tpu_sc as plsc

_B, _K, _N, _R = 16384, 4, 100000, 8
_RR = _R * _R
_NC, _NS = 2, 16
_NW = _NC * _NS
_BPW = _B // _NW
_CHI = 128
_NCH = _BPW // _CHI
_CH = 4352
_CH2 = _CH // 2


def _softplus(x):
    return jnp.maximum(x, 0.0) + jnp.log1p(jnp.exp(-jnp.abs(x)))


def _norm_repack_call(lct):
    n = lct.shape[1]
    ch = _CH
    grid = (n + ch - 1) // ch

    def body(x_ref, o_ref, tab_ref, acc_ref):
        g = pl.program_id(0)

        @pl.when(g == 0)
        def _init():
            acc_ref[...] = jnp.zeros_like(acc_ref)

        x = x_ref[...]
        col = g * ch + lax.broadcasted_iota(jnp.int32, (_K * _RR, ch), 1)
        acc_ref[...] += jnp.where(col < n, _softplus(x), 0.0)

        xt = jnp.swapaxes(x, 0, 1)
        ev = xt[: ch // 2, :]
        od = xt[ch // 2 :, :]
        tabs = [
            jnp.concatenate(
                [
                    ev[:, kk * _RR : (kk + 1) * _RR],
                    od[:, kk * _RR : (kk + 1) * _RR],
                ],
                axis=1,
            )
            for kk in range(_K)
        ]
        tab_ref[...] = jnp.stack(tabs, axis=0)

        @pl.when(g == grid - 1)
        def _fin():
            s = jnp.sum(acc_ref[...], axis=1)
            m = s.reshape(_K, _R, _R)
            t_ = m[0]
            for i in range(1, _K):
                t_ = sum(
                    t_[:, u : u + 1] * m[i][u : u + 1, :] for u in range(_R)
                )
            eye = lax.broadcasted_iota(jnp.int32, (_R, _R), 0) == \
                lax.broadcasted_iota(jnp.int32, (_R, _R), 1)
            o_ref[0, 0] = jnp.log(jnp.sum(jnp.where(eye, t_, 0.0)))

    return pl.pallas_call(
        body,
        grid=(grid,),
        in_specs=[pl.BlockSpec((_K * _RR, ch), lambda g: (0, g))],
        out_specs=[
            pl.BlockSpec(memory_space=pltpu.SMEM),
            pl.BlockSpec((_K, ch // 2, 128), lambda g: (0, g, 0)),
        ],
        out_shape=[
            jax.ShapeDtypeStruct((1, 1), jnp.float32),
            jax.ShapeDtypeStruct((_K, grid * (ch // 2), 128), jnp.float32),
        ],
        scratch_shapes=[pltpu.VMEM((_K * _RR, ch), jnp.float32)],
    )(lct)


def _sc_gather(tab, fidx4):
    mesh = plsc.VectorSubcoreMesh(core_axis_name="c", subcore_axis_name="s")

    @functools.partial(
        pl.kernel,
        mesh=mesh,
        compiler_params=pltpu.CompilerParams(use_tc_tiling_on_sc=False),
        out_type=jax.ShapeDtypeStruct((_K, _B, 128), jnp.float32),
        scratch_types=[
            pltpu.VMEM((_NCH, _CHI), jnp.int32),
            pltpu.VMEM((_BPW, 128), jnp.float32),
            pltpu.SemaphoreType.DMA,
            pltpu.SemaphoreType.DMA,
        ],
    )
    def body(tab_hbm, fidx_hbm, out_hbm, idx_v, rows_v, gsem, ssem):
        wid = lax.axis_index("s") * _NC + lax.axis_index("c")
        base = wid * _BPW
        for kk in range(_K):
            pltpu.sync_copy(fidx_hbm.at[kk, wid], idx_v)
            copies = [
                pltpu.async_copy(
                    tab_hbm.at[kk].at[idx_v.at[j]],
                    rows_v.at[pl.ds(j * _CHI, _CHI)],
                    gsem,
                )
                for j in range(_NCH)
            ]
            for c in copies:
                c.wait()
            wr = pltpu.async_copy(
                rows_v, out_hbm.at[kk, pl.ds(base, _BPW)], ssem
            )
            wr.wait()

    return body(tab, fidx4)


def _chain_call(g2, par, ln):
    bb = 2048
    grid = _B // bb

    def body(x_ref, p_ref, ln_ref, o_ref):
        x = x_ref[...]
        m = []
        for kk in range(_K):
            xt = jnp.swapaxes(x[kk], 0, 1)
            selk = p_ref[kk : kk + 1, :] == 1
            xk = jnp.where(selk, xt[_RR:, :], xt[:_RR, :])
            m.append(_softplus(xk).reshape(_R, _R, bb))
        p = m[0]
        for kk in range(1, _K):
            p = sum(
                p[:, u : u + 1, :] * m[kk][u : u + 1, :, :]
                for u in range(_R)
            )
        eye = (
            lax.broadcasted_iota(jnp.int32, (_R, _R, 1), 0)
            == lax.broadcasted_iota(jnp.int32, (_R, _R, 1), 1)
        )
        t_ = jnp.sum(jnp.where(eye, p, 0.0), axis=(0, 1))
        o_ref[...] = (jnp.log(t_) - ln_ref[0, 0]).reshape(1, bb)

    return pl.pallas_call(
        body,
        grid=(grid,),
        in_specs=[
            pl.BlockSpec((_K, bb, 128), lambda g: (0, g, 0)),
            pl.BlockSpec((_K, bb), lambda g: (0, g)),
            pl.BlockSpec(memory_space=pltpu.SMEM),
        ],
        out_specs=pl.BlockSpec((1, bb), lambda g: (0, g)),
        out_shape=jax.ShapeDtypeStruct((1, _B), jnp.float32),
    )(g2, par, ln)


def kernel(index, log_cores):
    k, n, r = log_cores.shape[0], log_cores.shape[1], log_cores.shape[2]
    b = index.shape[0]
    lct = jnp.transpose(log_cores, (0, 2, 3, 1)).reshape(k * r * r, n)
    it = index.T
    off = it % _CH
    half = off // _CH2
    row = (it // _CH) * _CH2 + off - half * _CH2
    fidx4 = row.reshape(k, _NW, _NCH, _CHI)
    par = half.astype(jnp.int32)
    ln, tab = _norm_repack_call(lct)
    g2 = _sc_gather(tab, fidx4)
    out2 = _chain_call(g2, par, ln)
    return out2.reshape(b)

# --- scband reference (transcript-rebuilt; emitter-appended) ---
"""Pipeline reference for scband-trcategorical-79388175499500 (READ-ONLY COPY).

The authoritative reference and input builder live on the scoring server;
editing this copy changes nothing except your own understanding.
"""

import jax, jax.numpy as jnp
import numpy as np

B, K, N, R = 16384, 4, 100000, 8

def setup_inputs(seed: int = 0) -> dict:
    key = jax.random.key(seed)
    k1, k2 = jax.random.split(key)
    index = jax.random.randint(k1, (B, K), 0, N, dtype=jnp.int64) if jax.config.jax_enable_x64 else jax.random.randint(k1, (B, K), 0, N, dtype=jnp.int32)
    # reset_cores init: theta = log(expm1(1/(d_k * r_k))), std=0.1
    theta = float(np.log(np.expm1(1.0 / (N * R))))
    log_cores = theta + 0.1 * jax.random.normal(k2, (K, N, R, R), dtype=jnp.float32)
    return {"index": index, "log_cores": log_cores}

def reference(index, log_cores):
    # cores property: softplus of log_cores
    cores = jax.nn.softplus(log_cores)
    prob = None
    norm = None
    for i in range(K):
        core = cores[i]                      # [N, R, R]
        margin = jnp.take(core, index[:, i], axis=0)  # gather -> [B, R, R]
        prob = margin if prob is None else prob @ margin
        s = core.sum(axis=0)                 # [R, R]
        norm = s if norm is None else norm @ s
    log_prob = jnp.log(jnp.trace(prob, axis1=1, axis2=2))  # [B]
    return log_prob - jnp.log(jnp.trace(norm))

if __name__ == "__main__":
    import jax
    _d = setup_inputs()
    print(jax.jit(kernel)(*tuple(_d.values())))

</pallas_src>

<mosaic_0001>
#map = affine_map<(d0, d1) -> (0, 0, 0)>
#map1 = affine_map<(d0, d1) -> (0, 0, 0, 0)>
module attributes {stable_mosaic.version = 14 : i64} {
  func.func @body(%arg0: i32, %arg1: i32, %arg2: memref<4x50048x128xf32, #tpu.memory_space<hbm>>, %arg3: memref<4x32x4x128xi32, #tpu.memory_space<hbm>>, %arg4: memref<4x16384x128xf32, #tpu.memory_space<hbm>>, %arg5: memref<4x128xi32, #tpu.memory_space<vmem>>, %arg6: memref<512x128xf32, #tpu.memory_space<vmem>>, %arg7: memref<!tpu.dma_semaphore, #tpu.memory_space<semaphore_mem>>, %arg8: memref<!tpu.dma_semaphore, #tpu.memory_space<semaphore_mem>>) attributes {dimension_semantics = [#tpu.dimension_semantics<core_parallel>, #tpu.dimension_semantics<subcore_parallel>], iteration_bounds = array<i64: 2, 16>, scalar_prefetch = 0 : i64, scratch_operands = 4 : i64, tpu.core_type = #tpu.core_type<sc_vector_subcore>, window_params = [{transform_indices = #map}, {transform_indices = #map1}, {transform_indices = #map}]} {
    %mul3A = arith.constant 2 : i32
    %mul3A_0 = arith.muli %arg1, %mul3A : i32
    %add3A = arith.addi %mul3A_0, %arg0 : i32
    %mul3A_1 = arith.constant 512 : i32
    %mul3A_2 = arith.muli %add3A, %mul3A_1 : i32
    %run_scoped3A = arith.constant 0 : i32
    "tpu.region"() ({
      %run_scoped3A_540 = tpu.sem_alloc : memref<!tpu.dma_semaphore, #tpu.memory_space<semaphore_mem>>
      %dma_start3A_541 = arith.constant 0 : i32
      %dma_start3A_542 = arith.constant 0 : i32
      %dma_start3A_543 = tpu.memref_slice %arg3[%run_scoped3A, %add3A, %dma_start3A_541, %dma_start3A_542] : memref<4x32x4x128xi32, #tpu.memory_space<hbm>> -> memref<1x1x4x128xi32, #tpu.memory_space<hbm>>
      %dma_start3A_544 = tpu.memref_squeeze %dma_start3A_543 : memref<1x1x4x128xi32, #tpu.memory_space<hbm>> -> memref<4x128xi32, #tpu.memory_space<hbm>>
      %dma_start3A_545 = arith.constant 0 : i32
      %dma_start3A_546 = arith.constant 0 : i32
      %dma_start3A_547 = tpu.memref_slice %arg3[%run_scoped3A, %add3A, %dma_start3A_545, %dma_start3A_546] : memref<4x32x4x128xi32, #tpu.memory_space<hbm>> -> memref<1x1x4x128xi32, #tpu.memory_space<hbm>>
      %dma_start3A_548 = tpu.memref_squeeze %dma_start3A_547 : memref<1x1x4x128xi32, #tpu.memory_space<hbm>> -> memref<4x128xi32, #tpu.memory_space<hbm>>
      tpu.enqueue_dma source(%dma_start3A_548 : memref<4x128xi32, #tpu.memory_space<hbm>>) target(%arg5 : memref<4x128xi32, #tpu.memory_space<vmem>>) target_semaphore(%run_scoped3A_540 : memref<!tpu.dma_semaphore, #tpu.memory_space<semaphore_mem>>)
      %dma_wait3A_549 = arith.constant 0 : i32
      %dma_wait3A_550 = arith.constant 0 : i32
      %dma_wait3A_551 = tpu.memref_slice %arg3[%run_scoped3A, %add3A, %dma_wait3A_549, %dma_wait3A_550] : memref<4x32x4x128xi32, #tpu.memory_space<hbm>> -> memref<1x1x4x128xi32, #tpu.memory_space<hbm>>
      %dma_wait3A_552 = tpu.memref_squeeze %dma_wait3A_551 : memref<1x1x4x128xi32, #tpu.memory_space<hbm>> -> memref<4x128xi32, #tpu.memory_space<hbm>>
      %dma_wait3A_553 = arith.constant 0 : i32
      %dma_wait3A_554 = arith.constant 0 : i32
      %dma_wait3A_555 = tpu.memref_slice %arg3[%run_scoped3A, %add3A, %dma_wait3A_553, %dma_wait3A_554] : memref<4x32x4x128xi32, #tpu.memory_space<hbm>> -> memref<1x1x4x128xi32, #tpu.memory_space<hbm>>
      %dma_wait3A_556 = tpu.memref_squeeze %dma_wait3A_555 : memref<1x1x4x128xi32, #tpu.memory_space<hbm>> -> memref<4x128xi32, #tpu.memory_space<hbm>>
      tpu.wait_dma2 semaphore(%run_scoped3A_540 : memref<!tpu.dma_semaphore, #tpu.memory_space<semaphore_mem>>) src(%dma_wait3A_556 : memref<4x128xi32, #tpu.memory_space<hbm>>) dst(%arg5 : memref<4x128xi32, #tpu.memory_space<vmem>>)
      tpu.yield
    }) : () -> ()
    %dma_start3A = arith.constant 0 : i32
    %dma_start3A_3 = arith.constant 0 : i32
    %dma_start3A_4 = arith.constant 0 : i32
    %dma_start3A_5 = arith.constant 0 : i32
    %dma_start3A_6 = tpu.memref_slice %arg6[%dma_start3A_4, %dma_start3A_5] : memref<512x128xf32, #tpu.memory_space<vmem>> -> memref<128x128xf32, #tpu.memory_space<vmem>>
    %dma_start3A_7 = arith.constant 0 : i32
    %dma_start3A_8 = tpu.memref_slice %arg5[%dma_start3A_3, %dma_start3A_7] : memref<4x128xi32, #tpu.memory_space<vmem>> -> memref<1x128xi32, #tpu.memory_space<vmem>>
    %dma_start3A_9 = tpu.memref_squeeze %dma_start3A_8 : memref<1x128xi32, #tpu.memory_space<vmem>> -> memref<128xi32, #tpu.memory_space<vmem>>
    %dma_start3A_10 = arith.constant 0 : i32
    %dma_start3A_11 = arith.constant 0 : i32
    %dma_start3A_12 = tpu.memref_slice %arg2[%dma_start3A, %dma_start3A_10, %dma_start3A_11] : memref<4x50048x128xf32, #tpu.memory_space<hbm>> -> memref<1x50048x128xf32, #tpu.memory_space<hbm>>
    %dma_start3A_13 = tpu.memref_squeeze %dma_start3A_12 : memref<1x50048x128xf32, #tpu.memory_space<hbm>> -> memref<50048x128xf32, #tpu.memory_space<hbm>>
    %dma_start3A_14 = arith.constant 0 : i32
    %dma_start3A_15 = arith.constant 0 : i32
    %dma_start3A_16 = tpu.memref_slice %dma_start3A_13[%dma_start3A_14, %dma_start3A_15] : memref<50048x128xf32, #tpu.memory_space<hbm>> -> memref<50048x128xf32, #tpu.memory_space<hbm>>
    tpu.enqueue_indirect_dma source(%dma_start3A_16 : memref<50048x128xf32, #tpu.memory_space<hbm>>) target(%dma_start3A_6 : memref<128x128xf32, #tpu.memory_space<vmem>>) offsets(%dma_start3A_9 : memref<128xi32, #tpu.memory_space<vmem>>) semaphore(%arg7 : memref<!tpu.dma_semaphore, #tpu.memory_space<semaphore_mem>>)
    %dma_start3A_17 = arith.constant 0 : i32
    %dma_start3A_18 = arith.constant 1 : i32
    %dma_start3A_19 = arith.constant 128 : i32
    %dma_start3A_20 = arith.constant 0 : i32
    %dma_start3A_21 = tpu.memref_slice %arg6[%dma_start3A_19, %dma_start3A_20] : memref<512x128xf32, #tpu.memory_space<vmem>> -> memref<128x128xf32, #tpu.memory_space<vmem>>
    %dma_start3A_22 = arith.constant 0 : i32
    %dma_start3A_23 = tpu.memref_slice %arg5[%dma_start3A_18, %dma_start3A_22] : memref<4x128xi32, #tpu.memory_space<vmem>> -> memref<1x128xi32, #tpu.memory_space<vmem>>
    %dma_start3A_24 = tpu.memref_squeeze %dma_start3A_23 : memref<1x128xi32, #tpu.memory_space<vmem>> -> memref<128xi32, #tpu.memory_space<vmem>>
    %dma_start3A_25 = arith.constant 0 : i32
    %dma_start3A_26 = arith.constant 0 : i32
    %dma_start3A_27 = tpu.memref_slice %arg2[%dma_start3A_17, %dma_start3A_25, %dma_start3A_26] : memref<4x50048x128xf32, #tpu.memory_space<hbm>> -> memref<1x50048x128xf32, #tpu.memory_space<hbm>>
    %dma_start3A_28 = tpu.memref_squeeze %dma_start3A_27 : memref<1x50048x128xf32, #tpu.memory_space<hbm>> -> memref<50048x128xf32, #tpu.memory_space<hbm>>
    %dma_start3A_29 = arith.constant 0 : i32
    %dma_start3A_30 = arith.constant 0 : i32
    %dma_start3A_31 = tpu.memref_slice %dma_start3A_28[%dma_start3A_29, %dma_start3A_30] : memref<50048x128xf32, #tpu.memory_space<hbm>> -> memref<50048x128xf32, #tpu.memory_space<hbm>>
    tpu.enqueue_indirect_dma source(%dma_start3A_31 : memref<50048x128xf32, #tpu.memory_space<hbm>>) target(%dma_start3A_21 : memref<128x128xf32, #tpu.memory_space<vmem>>) offsets(%dma_start3A_24 : memref<128xi32, #tpu.memory_space<vmem>>) semaphore(%arg7 : memref<!tpu.dma_semaphore, #tpu.memory_space<semaphore_mem>>)
    %dma_start3A_32 = arith.constant 0 : i32
    %dma_start3A_33 = arith.constant 2 : i32
    %dma_start3A_34 = arith.constant 256 : i32
    %dma_start3A_35 = arith.constant 0 : i32
    %dma_start3A_36 = tpu.memref_slice %arg6[%dma_start3A_34, %dma_start3A_35] : memref<512x128xf32, #tpu.memory_space<vmem>> -> memref<128x128xf32, #tpu.memory_space<vmem>>
    %dma_start3A_37 = arith.constant 0 : i32
    %dma_start3A_38 = tpu.memref_slice %arg5[%dma_start3A_33, %dma_start3A_37] : memref<4x128xi32, #tpu.memory_space<vmem>> -> memref<1x128xi32, #tpu.memory_space<vmem>>
    %dma_start3A_39 = tpu.memref_squeeze %dma_start3A_38 : memref<1x128xi32, #tpu.memory_space<vmem>> -> memref<128xi32, #tpu.memory_space<vmem>>
    %dma_start3A_40 = arith.constant 0 : i32
    %dma_start3A_41 = arith.constant 0 : i32
    %dma_start3A_42 = tpu.memref_slice %arg2[%dma_start3A_32, %dma_start3A_40, %dma_start3A_41] : memref<4x50048x128xf32, #tpu.memory_space<hbm>> -> memref<1x50048x128xf32, #tpu.memory_space<hbm>>
    %dma_start3A_43 = tpu.memref_squeeze %dma_start3A_42 : memref<1x50048x128xf32, #tpu.memory_space<hbm>> -> memref<50048x128xf32, #tpu.memory_space<hbm>>
    %dma_start3A_44 = arith.constant 0 : i32
    %dma_start3A_45 = arith.constant 0 : i32
    %dma_start3A_46 = tpu.memref_slice %dma_start3A_43[%dma_start3A_44, %dma_start3A_45] : memref<50048x128xf32, #tpu.memory_space<hbm>> -> memref<50048x128xf32, #tpu.memory_space<hbm>>
    tpu.enqueue_indirect_dma source(%dma_start3A_46 : memref<50048x128xf32, #tpu.memory_space<hbm>>) target(%dma_start3A_36 : memref<128x128xf32, #tpu.memory_space<vmem>>) offsets(%dma_start3A_39 : memref<128xi32, #tpu.memory_space<vmem>>) semaphore(%arg7 : memref<!tpu.dma_semaphore, #tpu.memory_space<semaphore_mem>>)
    %dma_start3A_47 = arith.constant 0 : i32
    %dma_start3A_48 = arith.constant 3 : i32
    %dma_start3A_49 = arith.constant 384 : i32
    %dma_start3A_50 = arith.constant 0 : i32
    %dma_start3A_51 = tpu.memref_slice %arg6[%dma_start3A_49, %dma_start3A_50] : memref<512x128xf32, #tpu.memory_space<vmem>> -> memref<128x128xf32, #tpu.memory_space<vmem>>
    %dma_start3A_52 = arith.constant 0 : i32
    %dma_start3A_53 = tpu.memref_slice %arg5[%dma_start3A_48, %dma_start3A_52] : memref<4x128xi32, #tpu.memory_space<vmem>> -> memref<1x128xi32, #tpu.memory_space<vmem>>
    %dma_start3A_54 = tpu.memref_squeeze %dma_start3A_53 : memref<1x128xi32, #tpu.memory_space<vmem>> -> memref<128xi32, #tpu.memory_space<vmem>>
    %dma_start3A_55 = arith.constant 0 : i32
    %dma_start3A_56 = arith.constant 0 : i32
    %dma_start3A_57 = tpu.memref_slice %arg2[%dma_start3A_47, %dma_start3A_55, %dma_start3A_56] : memref<4x50048x128xf32, #tpu.memory_space<hbm>> -> memref<1x50048x128xf32, #tpu.memory_space<hbm>>
    %dma_start3A_58 = tpu.memref_squeeze %dma_start3A_57 : memref<1x50048x128xf32, #tpu.memory_space<hbm>> -> memref<50048x128xf32, #tpu.memory_space<hbm>>
    %dma_start3A_59 = arith.constant 0 : i32
    %dma_start3A_60 = arith.constant 0 : i32
    %dma_start3A_61 = tpu.memref_slice %dma_start3A_58[%dma_start3A_59, %dma_start3A_60] : memref<50048x128xf32, #tpu.memory_space<hbm>> -> memref<50048x128xf32, #tpu.memory_space<hbm>>
    tpu.enqueue_indirect_dma source(%dma_start3A_61 : memref<50048x128xf32, #tpu.memory_space<hbm>>) target(%dma_start3A_51 : memref<128x128xf32, #tpu.memory_space<vmem>>) offsets(%dma_start3A_54 : memref<128xi32, #tpu.memory_space<vmem>>) semaphore(%arg7 : memref<!tpu.dma_semaphore, #tpu.memory_space<semaphore_mem>>)
    %dma_wait3A = arith.constant 0 : i32
    %dma_wait3A_62 = arith.constant 0 : i32
    %dma_wait3A_63 = arith.constant 0 : i32
    %dma_wait3A_64 = arith.constant 0 : i32
    %dma_wait3A_65 = tpu.memref_slice %arg6[%dma_wait3A_63, %dma_wait3A_64] : memref<512x128xf32, #tpu.memory_space<vmem>> -> memref<128x128xf32, #tpu.memory_space<vmem>>
    %dma_wait3A_66 = arith.constant 0 : i32
    %dma_wait3A_67 = tpu.memref_slice %arg5[%dma_wait3A_62, %dma_wait3A_66] : memref<4x128xi32, #tpu.memory_space<vmem>> -> memref<1x128xi32, #tpu.memory_space<vmem>>
    %dma_wait3A_68 = tpu.memref_squeeze %dma_wait3A_67 : memref<1x128xi32, #tpu.memory_space<vmem>> -> memref<128xi32, #tpu.memory_space<vmem>>
    %dma_wait3A_69 = arith.constant 0 : i32
    %dma_wait3A_70 = arith.constant 0 : i32
    %dma_wait3A_71 = tpu.memref_slice %arg2[%dma_wait3A, %dma_wait3A_69, %dma_wait3A_70] : memref<4x50048x128xf32, #tpu.memory_space<hbm>> -> memref<1x50048x128xf32, #tpu.memory_space<hbm>>
    %dma_wait3A_72 = tpu.memref_squeeze %dma_wait3A_71 : memref<1x50048x128xf32, #tpu.memory_space<hbm>> -> memref<50048x128xf32, #tpu.memory_space<hbm>>
    %dma_wait3A_73 = arith.constant 0 : i32
    %dma_wait3A_74 = arith.constant 0 : i32
    %dma_wait3A_75 = tpu.memref_slice %dma_wait3A_72[%dma_wait3A_73, %dma_wait3A_74] : memref<50048x128xf32, #tpu.memory_space<hbm>> -> memref<50048x128xf32, #tpu.memory_space<hbm>>
    tpu.wait_indirect_dma semaphore(%arg7 : memref<!tpu.dma_semaphore, #tpu.memory_space<semaphore_mem>>) src(%dma_wait3A_75 : memref<50048x128xf32, #tpu.memory_space<hbm>>) dst(%dma_wait3A_65 : memref<128x128xf32, #tpu.memory_space<vmem>>)
    %dma_wait3A_76 = arith.constant 0 : i32
    %dma_wait3A_77 = arith.constant 1 : i32
    %dma_wait3A_78 = arith.constant 128 : i32
    %dma_wait3A_79 = arith.constant 0 : i32
    %dma_wait3A_80 = tpu.memref_slice %arg6[%dma_wait3A_78, %dma_wait3A_79] : memref<512x128xf32, #tpu.memory_space<vmem>> -> memref<128x128xf32, #tpu.memory_space<vmem>>
    %dma_wait3A_81 = arith.constant 0 : i32
    %dma_wait3A_82 = tpu.memref_slice %arg5[%dma_wait3A_77, %dma_wait3A_81] : memref<4x128xi32, #tpu.memory_space<vmem>> -> memref<1x128xi32, #tpu.memory_space<vmem>>
    %dma_wait3A_83 = tpu.memref_squeeze %dma_wait3A_82 : memref<1x128xi32, #tpu.memory_space<vmem>> -> memref<128xi32, #tpu.memory_space<vmem>>
    %dma_wait3A_84 = arith.constant 0 : i32
    %dma_wait3A_85 = arith.constant 0 : i32
    %dma_wait3A_86 = tpu.memref_slice %arg2[%dma_wait3A_76, %dma_wait3A_84, %dma_wait3A_85] : memref<4x50048x128xf32, #tpu.memory_space<hbm>> -> memref<1x50048x128xf32, #tpu.memory_space<hbm>>
    %dma_wait3A_87 = tpu.memref_squeeze %dma_wait3A_86 : memref<1x50048x128xf32, #tpu.memory_space<hbm>> -> memref<50048x128xf32, #tpu.memory_space<hbm>>
    %dma_wait3A_88 = arith.constant 0 : i32
    %dma_wait3A_89 = arith.constant 0 : i32
    %dma_wait3A_90 = tpu.memref_slice %dma_wait3A_87[%dma_wait3A_88, %dma_wait3A_89] : memref<50048x128xf32, #tpu.memory_space<hbm>> -> memref<50048x128xf32, #tpu.memory_space<hbm>>
    tpu.wait_indirect_dma semaphore(%arg7 : memref<!tpu.dma_semaphore, #tpu.memory_space<semaphore_mem>>) src(%dma_wait3A_90 : memref<50048x128xf32, #tpu.memory_space<hbm>>) dst(%dma_wait3A_80 : memref<128x128xf32, #tpu.memory_space<vmem>>)
    %dma_wait3A_91 = arith.constant 0 : i32
    %dma_wait3A_92 = arith.constant 2 : i32
    %dma_wait3A_93 = arith.constant 256 : i32
    %dma_wait3A_94 = arith.constant 0 : i32
    %dma_wait3A_95 = tpu.memref_slice %arg6[%dma_wait3A_93, %dma_wait3A_94] : memref<512x128xf32, #tpu.memory_space<vmem>> -> memref<128x128xf32, #tpu.memory_space<vmem>>
    %dma_wait3A_96 = arith.constant 0 : i32
    %dma_wait3A_97 = tpu.memref_slice %arg5[%dma_wait3A_92, %dma_wait3A_96] : memref<4x128xi32, #tpu.memory_space<vmem>> -> memref<1x128xi32, #tpu.memory_space<vmem>>
    %dma_wait3A_98 = tpu.memref_squeeze %dma_wait3A_97 : memref<1x128xi32, #tpu.memory_space<vmem>> -> memref<128xi32, #tpu.memory_space<vmem>>
    %dma_wait3A_99 = arith.constant 0 : i32
    %dma_wait3A_100 = arith.constant 0 : i32
    %dma_wait3A_101 = tpu.memref_slice %arg2[%dma_wait3A_91, %dma_wait3A_99, %dma_wait3A_100] : memref<4x50048x128xf32, #tpu.memory_space<hbm>> -> memref<1x50048x128xf32, #tpu.memory_space<hbm>>
    %dma_wait3A_102 = tpu.memref_squeeze %dma_wait3A_101 : memref<1x50048x128xf32, #tpu.memory_space<hbm>> -> memref<50048x128xf32, #tpu.memory_space<hbm>>
    %dma_wait3A_103 = arith.constant 0 : i32
    %dma_wait3A_104 = arith.constant 0 : i32
    %dma_wait3A_105 = tpu.memref_slice %dma_wait3A_102[%dma_wait3A_103, %dma_wait3A_104] : memref<50048x128xf32, #tpu.memory_space<hbm>> -> memref<50048x128xf32, #tpu.memory_space<hbm>>
    tpu.wait_indirect_dma semaphore(%arg7 : memref<!tpu.dma_semaphore, #tpu.memory_space<semaphore_mem>>) src(%dma_wait3A_105 : memref<50048x128xf32, #tpu.memory_space<hbm>>) dst(%dma_wait3A_95 : memref<128x128xf32, #tpu.memory_space<vmem>>)
    %dma_wait3A_106 = arith.constant 0 : i32
    %dma_wait3A_107 = arith.constant 3 : i32
    %dma_wait3A_108 = arith.constant 384 : i32
    %dma_wait3A_109 = arith.constant 0 : i32
    %dma_wait3A_110 = tpu.memref_slice %arg6[%dma_wait3A_108, %dma_wait3A_109] : memref<512x128xf32, #tpu.memory_space<vmem>> -> memref<128x128xf32, #tpu.memory_space<vmem>>
    %dma_wait3A_111 = arith.constant 0 : i32
    %dma_wait3A_112 = tpu.memref_slice %arg5[%dma_wait3A_107, %dma_wait3A_111] : memref<4x128xi32, #tpu.memory_space<vmem>> -> memref<1x128xi32, #tpu.memory_space<vmem>>
    %dma_wait3A_113 = tpu.memref_squeeze %dma_wait3A_112 : memref<1x128xi32, #tpu.memory_space<vmem>> -> memref<128xi32, #tpu.memory_space<vmem>>
    %dma_wait3A_114 = arith.constant 0 : i32
    %dma_wait3A_115 = arith.constant 0 : i32
    %dma_wait3A_116 = tpu.memref_slice %arg2[%dma_wait3A_106, %dma_wait3A_114, %dma_wait3A_115] : memref<4x50048x128xf32, #tpu.memory_space<hbm>> -> memref<1x50048x128xf32, #tpu.memory_space<hbm>>
    %dma_wait3A_117 = tpu.memref_squeeze %dma_wait3A_116 : memref<1x50048x128xf32, #tpu.memory_space<hbm>> -> memref<50048x128xf32, #tpu.memory_space<hbm>>
    %dma_wait3A_118 = arith.constant 0 : i32
    %dma_wait3A_119 = arith.constant 0 : i32
    %dma_wait3A_120 = tpu.memref_slice %dma_wait3A_117[%dma_wait3A_118, %dma_wait3A_119] : memref<50048x128xf32, #tpu.memory_space<hbm>> -> memref<50048x128xf32, #tpu.memory_space<hbm>>
    tpu.wait_indirect_dma semaphore(%arg7 : memref<!tpu.dma_semaphore, #tpu.memory_space<semaphore_mem>>) src(%dma_wait3A_120 : memref<50048x128xf32, #tpu.memory_space<hbm>>) dst(%dma_wait3A_110 : memref<128x128xf32, #tpu.memory_space<vmem>>)
    %dma_start3A_121 = arith.constant 0 : i32
    %dma_start3A_122 = arith.constant 0 : i32
    %dma_start3A_123 = tpu.memref_slice %arg4[%dma_start3A_121, %mul3A_2, %dma_start3A_122] : memref<4x16384x128xf32, #tpu.memory_space<hbm>> -> memref<1x512x128xf32, #tpu.memory_space<hbm>>
    %dma_start3A_124 = tpu.memref_squeeze %dma_start3A_123 : memref<1x512x128xf32, #tpu.memory_space<hbm>> -> memref<512x128xf32, #tpu.memory_space<hbm>>
    %dma_start3A_125 = arith.constant 0 : i32
    %dma_start3A_126 = tpu.memref_slice %arg4[%dma_start3A_121, %mul3A_2, %dma_start3A_125] : memref<4x16384x128xf32, #tpu.memory_space<hbm>> -> memref<1x512x128xf32, #tpu.memory_space<hbm>>
    %dma_start3A_127 = tpu.memref_squeeze %dma_start3A_126 : memref<1x512x128xf32, #tpu.memory_space<hbm>> -> memref<512x128xf32, #tpu.memory_space<hbm>>
    tpu.enqueue_dma source(%arg6 : memref<512x128xf32, #tpu.memory_space<vmem>>) target(%dma_start3A_127 : memref<512x128xf32, #tpu.memory_space<hbm>>) target_semaphore(%arg8 : memref<!tpu.dma_semaphore, #tpu.memory_space<semaphore_mem>>)
    %dma_wait3A_128 = arith.constant 0 : i32
    %dma_wait3A_129 = arith.constant 0 : i32
    %dma_wait3A_130 = tpu.memref_slice %arg4[%dma_wait3A_128, %mul3A_2, %dma_wait3A_129] : memref<4x16384x128xf32, #tpu.memory_space<hbm>> -> memref<1x512x128xf32, #tpu.memory_space<hbm>>
    %dma_wait3A_131 = tpu.memref_squeeze %dma_wait3A_130 : memref<1x512x128xf32, #tpu.memory_space<hbm>> -> memref<512x128xf32, #tpu.memory_space<hbm>>
    %dma_wait3A_132 = arith.constant 0 : i32
    %dma_wait3A_133 = tpu.memref_slice %arg4[%dma_wait3A_128, %mul3A_2, %dma_wait3A_132] : memref<4x16384x128xf32, #tpu.memory_space<hbm>> -> memref<1x512x128xf32, #tpu.memory_space<hbm>>
    %dma_wait3A_134 = tpu.memref_squeeze %dma_wait3A_133 : memref<1x512x128xf32, #tpu.memory_space<hbm>> -> memref<512x128xf32, #tpu.memory_space<hbm>>
    tpu.wait_dma2 semaphore(%arg8 : memref<!tpu.dma_semaphore, #tpu.memory_space<semaphore_mem>>) src(%arg6 : memref<512x128xf32, #tpu.memory_space<vmem>>) dst(%dma_wait3A_134 : memref<512x128xf32, #tpu.memory_space<hbm>>)
    %run_scoped3A_135 = arith.constant 1 : i32
    "tpu.region"() ({
      %run_scoped3A_540 = tpu.sem_alloc : memref<!tpu.dma_semaphore, #tpu.memory_space<semaphore_mem>>
      %dma_start3A_541 = arith.constant 0 : i32
      %dma_start3A_542 = arith.constant 0 : i32
      %dma_start3A_543 = tpu.memref_slice %arg3[%run_scoped3A_135, %add3A, %dma_start3A_541, %dma_start3A_542] : memref<4x32x4x128xi32, #tpu.memory_space<hbm>> -> memref<1x1x4x128xi32, #tpu.memory_space<hbm>>
      %dma_start3A_544 = tpu.memref_squeeze %dma_start3A_543 : memref<1x1x4x128xi32, #tpu.memory_space<hbm>> -> memref<4x128xi32, #tpu.memory_space<hbm>>
      %dma_start3A_545 = arith.constant 0 : i32
      %dma_start3A_546 = arith.constant 0 : i32
      %dma_start3A_547 = tpu.memref_slice %arg3[%run_scoped3A_135, %add3A, %dma_start3A_545, %dma_start3A_546] : memref<4x32x4x128xi32, #tpu.memory_space<hbm>> -> memref<1x1x4x128xi32, #tpu.memory_space<hbm>>
      %dma_start3A_548 = tpu.memref_squeeze %dma_start3A_547 : memref<1x1x4x128xi32, #tpu.memory_space<hbm>> -> memref<4x128xi32, #tpu.memory_space<hbm>>
      tpu.enqueue_dma source(%dma_start3A_548 : memref<4x128xi32, #tpu.memory_space<hbm>>) target(%arg5 : memref<4x128xi32, #tpu.memory_space<vmem>>) target_semaphore(%run_scoped3A_540 : memref<!tpu.dma_semaphore, #tpu.memory_space<semaphore_mem>>)
      %dma_wait3A_549 = arith.constant 0 : i32
      %dma_wait3A_550 = arith.constant 0 : i32
      %dma_wait3A_551 = tpu.memref_slice %arg3[%run_scoped3A_135, %add3A, %dma_wait3A_549, %dma_wait3A_550] : memref<4x32x4x128xi32, #tpu.memory_space<hbm>> -> memref<1x1x4x128xi32, #tpu.memory_space<hbm>>
      %dma_wait3A_552 = tpu.memref_squeeze %dma_wait3A_551 : memref<1x1x4x128xi32, #tpu.memory_space<hbm>> -> memref<4x128xi32, #tpu.memory_space<hbm>>
      %dma_wait3A_553 = arith.constant 0 : i32
      %dma_wait3A_554 = arith.constant 0 : i32
      %dma_wait3A_555 = tpu.memref_slice %arg3[%run_scoped3A_135, %add3A, %dma_wait3A_553, %dma_wait3A_554] : memref<4x32x4x128xi32, #tpu.memory_space<hbm>> -> memref<1x1x4x128xi32, #tpu.memory_space<hbm>>
      %dma_wait3A_556 = tpu.memref_squeeze %dma_wait3A_555 : memref<1x1x4x128xi32, #tpu.memory_space<hbm>> -> memref<4x128xi32, #tpu.memory_space<hbm>>
      tpu.wait_dma2 semaphore(%run_scoped3A_540 : memref<!tpu.dma_semaphore, #tpu.memory_space<semaphore_mem>>) src(%dma_wait3A_556 : memref<4x128xi32, #tpu.memory_space<hbm>>) dst(%arg5 : memref<4x128xi32, #tpu.memory_space<vmem>>)
      tpu.yield
    }) : () -> ()
    %dma_start3A_136 = arith.constant 1 : i32
    %dma_start3A_137 = arith.constant 0 : i32
    %dma_start3A_138 = arith.constant 0 : i32
    %dma_start3A_139 = arith.constant 0 : i32
    %dma_start3A_140 = tpu.memref_slice %arg6[%dma_start3A_138, %dma_start3A_139] : memref<512x128xf32, #tpu.memory_space<vmem>> -> memref<128x128xf32, #tpu.memory_space<vmem>>
    %dma_start3A_141 = arith.constant 0 : i32
    %dma_start3A_142 = tpu.memref_slice %arg5[%dma_start3A_137, %dma_start3A_141] : memref<4x128xi32, #tpu.memory_space<vmem>> -> memref<1x128xi32, #tpu.memory_space<vmem>>
    %dma_start3A_143 = tpu.memref_squeeze %dma_start3A_142 : memref<1x128xi32, #tpu.memory_space<vmem>> -> memref<128xi32, #tpu.memory_space<vmem>>
    %dma_start3A_144 = arith.constant 0 : i32
    %dma_start3A_145 = arith.constant 0 : i32
    %dma_start3A_146 = tpu.memref_slice %arg2[%dma_start3A_136, %dma_start3A_144, %dma_start3A_145] : memref<4x50048x128xf32, #tpu.memory_space<hbm>> -> memref<1x50048x128xf32, #tpu.memory_space<hbm>>
    %dma_start3A_147 = tpu.memref_squeeze %dma_start3A_146 : memref<1x50048x128xf32, #tpu.memory_space<hbm>> -> memref<50048x128xf32, #tpu.memory_space<hbm>>
    %dma_start3A_148 = arith.constant 0 : i32
    %dma_start3A_149 = arith.constant 0 : i32
    %dma_start3A_150 = tpu.memref_slice %dma_start3A_147[%dma_start3A_148, %dma_start3A_149] : memref<50048x128xf32, #tpu.memory_space<hbm>> -> memref<50048x128xf32, #tpu.memory_space<hbm>>
    tpu.enqueue_indirect_dma source(%dma_start3A_150 : memref<50048x128xf32, #tpu.memory_space<hbm>>) target(%dma_start3A_140 : memref<128x128xf32, #tpu.memory_space<vmem>>) offsets(%dma_start3A_143 : memref<128xi32, #tpu.memory_space<vmem>>) semaphore(%arg7 : memref<!tpu.dma_semaphore, #tpu.memory_space<semaphore_mem>>)
    %dma_start3A_151 = arith.constant 1 : i32
    %dma_start3A_152 = arith.constant 1 : i32
    %dma_start3A_153 = arith.constant 128 : i32
    %dma_start3A_154 = arith.constant 0 : i32
    %dma_start3A_155 = tpu.memref_slice %arg6[%dma_start3A_153, %dma_start3A_154] : memref<512x128xf32, #tpu.memory_space<vmem>> -> memref<128x128xf32, #tpu.memory_space<vmem>>
    %dma_start3A_156 = arith.constant 0 : i32
    %dma_start3A_157 = tpu.memref_slice %arg5[%dma_start3A_152, %dma_start3A_156] : memref<4x128xi32, #tpu.memory_space<vmem>> -> memref<1x128xi32, #tpu.memory_space<vmem>>
    %dma_start3A_158 = tpu.memref_squeeze %dma_start3A_157 : memref<1x128xi32, #tpu.memory_space<vmem>> -> memref<128xi32, #tpu.memory_space<vmem>>
    %dma_start3A_159 = arith.constant 0 : i32
    %dma_start3A_160 = arith.constant 0 : i32
    %dma_start3A_161 = tpu.memref_slice %arg2[%dma_start3A_151, %dma_start3A_159, %dma_start3A_160] : memref<4x50048x128xf32, #tpu.memory_space<hbm>> -> memref<1x50048x128xf32, #tpu.memory_space<hbm>>
    %dma_start3A_162 = tpu.memref_squeeze %dma_start3A_161 : memref<1x50048x128xf32, #tpu.memory_space<hbm>> -> memref<50048x128xf32, #tpu.memory_space<hbm>>
    %dma_start3A_163 = arith.constant 0 : i32
    %dma_start3A_164 = arith.constant 0 : i32
    %dma_start3A_165 = tpu.memref_slice %dma_start3A_162[%dma_start3A_163, %dma_start3A_164] : memref<50048x128xf32, #tpu.memory_space<hbm>> -> memref<50048x128xf32, #tpu.memory_space<hbm>>
    tpu.enqueue_indirect_dma source(%dma_start3A_165 : memref<50048x128xf32, #tpu.memory_space<hbm>>) target(%dma_start3A_155 : memref<128x128xf32, #tpu.memory_space<vmem>>) offsets(%dma_start3A_158 : memref<128xi32, #tpu.memory_space<vmem>>) semaphore(%arg7 : memref<!tpu.dma_semaphore, #tpu.memory_space<semaphore_mem>>)
    %dma_start3A_166 = arith.constant 1 : i32
    %dma_start3A_167 = arith.constant 2 : i32
    %dma_start3A_168 = arith.constant 256 : i32
    %dma_start3A_169 = arith.constant 0 : i32
    %dma_start3A_170 = tpu.memref_slice %arg6[%dma_start3A_168, %dma_start3A_169] : memref<512x128xf32, #tpu.memory_space<vmem>> -> memref<128x128xf32, #tpu.memory_space<vmem>>
    %dma_start3A_171 = arith.constant 0 : i32
    %dma_start3A_172 = tpu.memref_slice %arg5[%dma_start3A_167, %dma_start3A_171] : memref<4x128xi32, #tpu.memory_space<vmem>> -> memref<1x128xi32, #tpu.memory_space<vmem>>
    %dma_start3A_173 = tpu.memref_squeeze %dma_start3A_172 : memref<1x128xi32, #tpu.memory_space<vmem>> -> memref<128xi32, #tpu.memory_space<vmem>>
    %dma_start3A_174 = arith.constant 0 : i32
    %dma_start3A_175 = arith.constant 0 : i32
    %dma_start3A_176 = tpu.memref_slice %arg2[%dma_start3A_166, %dma_start3A_174, %dma_start3A_175] : memref<4x50048x128xf32, #tpu.memory_space<hbm>> -> memref<1x50048x128xf32, #tpu.memory_space<hbm>>
    %dma_start3A_177 = tpu.memref_squeeze %dma_start3A_176 : memref<1x50048x128xf32, #tpu.memory_space<hbm>> -> memref<50048x128xf32, #tpu.memory_space<hbm>>
    %dma_start3A_178 = arith.constant 0 : i32
    %dma_start3A_179 = arith.constant 0 : i32
    %dma_start3A_180 = tpu.memref_slice %dma_start3A_177[%dma_start3A_178, %dma_start3A_179] : memref<50048x128xf32, #tpu.memory_space<hbm>> -> memref<50048x128xf32, #tpu.memory_space<hbm>>
    tpu.enqueue_indirect_dma source(%dma_start3A_180 : memref<50048x128xf32, #tpu.memory_space<hbm>>) target(%dma_start3A_170 : memref<128x128xf32, #tpu.memory_space<vmem>>) offsets(%dma_start3A_173 : memref<128xi32, #tpu.memory_space<vmem>>) semaphore(%arg7 : memref<!tpu.dma_semaphore, #tpu.memory_space<semaphore_mem>>)
    %dma_start3A_181 = arith.constant 1 : i32
    %dma_start3A_182 = arith.constant 3 : i32
    %dma_start3A_183 = arith.constant 384 : i32
    %dma_start3A_184 = arith.constant 0 : i32
    %dma_start3A_185 = tpu.memref_slice %arg6[%dma_start3A_183, %dma_start3A_184] : memref<512x128xf32, #tpu.memory_space<vmem>> -> memref<128x128xf32, #tpu.memory_space<vmem>>
    %dma_start3A_186 = arith.constant 0 : i32
    %dma_start3A_187 = tpu.memref_slice %arg5[%dma_start3A_182, %dma_start3A_186] : memref<4x128xi32, #tpu.memory_space<vmem>> -> memref<1x128xi32, #tpu.memory_space<vmem>>
    %dma_start3A_188 = tpu.memref_squeeze %dma_start3A_187 : memref<1x128xi32, #tpu.memory_space<vmem>> -> memref<128xi32, #tpu.memory_space<vmem>>
    %dma_start3A_189 = arith.constant 0 : i32
    %dma_start3A_190 = arith.constant 0 : i32
    %dma_start3A_191 = tpu.memref_slice %arg2[%dma_start3A_181, %dma_start3A_189, %dma_start3A_190] : memref<4x50048x128xf32, #tpu.memory_space<hbm>> -> memref<1x50048x128xf32, #tpu.memory_space<hbm>>
    %dma_start3A_192 = tpu.memref_squeeze %dma_start3A_191 : memref<1x50048x128xf32, #tpu.memory_space<hbm>> -> memref<50048x128xf32, #tpu.memory_space<hbm>>
    %dma_start3A_193 = arith.constant 0 : i32
    %dma_start3A_194 = arith.constant 0 : i32
    %dma_start3A_195 = tpu.memref_slice %dma_start3A_192[%dma_start3A_193, %dma_start3A_194] : memref<50048x128xf32, #tpu.memory_space<hbm>> -> memref<50048x128xf32, #tpu.memory_space<hbm>>
    tpu.enqueue_indirect_dma source(%dma_start3A_195 : memref<50048x128xf32, #tpu.memory_space<hbm>>) target(%dma_start3A_185 : memref<128x128xf32, #tpu.memory_space<vmem>>) offsets(%dma_start3A_188 : memref<128xi32, #tpu.memory_space<vmem>>) semaphore(%arg7 : memref<!tpu.dma_semaphore, #tpu.memory_space<semaphore_mem>>)
    %dma_wait3A_196 = arith.constant 1 : i32
    %dma_wait3A_197 = arith.constant 0 : i32
    %dma_wait3A_198 = arith.constant 0 : i32
    %dma_wait3A_199 = arith.constant 0 : i32
    %dma_wait3A_200 = tpu.memref_slice %arg6[%dma_wait3A_198, %dma_wait3A_199] : memref<512x128xf32, #tpu.memory_space<vmem>> -> memref<128x128xf32, #tpu.memory_space<vmem>>
    %dma_wait3A_201 = arith.constant 0 : i32
    %dma_wait3A_202 = tpu.memref_slice %arg5[%dma_wait3A_197, %dma_wait3A_201] : memref<4x128xi32, #tpu.memory_space<vmem>> -> memref<1x128xi32, #tpu.memory_space<vmem>>
    %dma_wait3A_203 = tpu.memref_squeeze %dma_wait3A_202 : memref<1x128xi32, #tpu.memory_space<vmem>> -> memref<128xi32, #tpu.memory_space<vmem>>
    %dma_wait3A_204 = arith.constant 0 : i32
    %dma_wait3A_205 = arith.constant 0 : i32
    %dma_wait3A_206 = tpu.memref_slice %arg2[%dma_wait3A_196, %dma_wait3A_204, %dma_wait3A_205] : memref<4x50048x128xf32, #tpu.memory_space<hbm>> -> memref<1x50048x128xf32, #tpu.memory_space<hbm>>
    %dma_wait3A_207 = tpu.memref_squeeze %dma_wait3A_206 : memref<1x50048x128xf32, #tpu.memory_space<hbm>> -> memref<50048x128xf32, #tpu.memory_space<hbm>>
    %dma_wait3A_208 = arith.constant 0 : i32
    %dma_wait3A_209 = arith.constant 0 : i32
    %dma_wait3A_210 = tpu.memref_slice %dma_wait3A_207[%dma_wait3A_208, %dma_wait3A_209] : memref<50048x128xf32, #tpu.memory_space<hbm>> -> memref<50048x128xf32, #tpu.memory_space<hbm>>
    tpu.wait_indirect_dma semaphore(%arg7 : memref<!tpu.dma_semaphore, #tpu.memory_space<semaphore_mem>>) src(%dma_wait3A_210 : memref<50048x128xf32, #tpu.memory_space<hbm>>) dst(%dma_wait3A_200 : memref<128x128xf32, #tpu.memory_space<vmem>>)
    %dma_wait3A_211 = arith.constant 1 : i32
    %dma_wait3A_212 = arith.constant 1 : i32
    %dma_wait3A_213 = arith.constant 128 : i32
    %dma_wait3A_214 = arith.constant 0 : i32
    %dma_wait3A_215 = tpu.memref_slice %arg6[%dma_wait3A_213, %dma_wait3A_214] : memref<512x128xf32, #tpu.memory_space<vmem>> -> memref<128x128xf32, #tpu.memory_space<vmem>>
    %dma_wait3A_216 = arith.constant 0 : i32
    %dma_wait3A_217 = tpu.memref_slice %arg5[%dma_wait3A_212, %dma_wait3A_216] : memref<4x128xi32, #tpu.memory_space<vmem>> -> memref<1x128xi32, #tpu.memory_space<vmem>>
    %dma_wait3A_218 = tpu.memref_squeeze %dma_wait3A_217 : memref<1x128xi32, #tpu.memory_space<vmem>> -> memref<128xi32, #tpu.memory_space<vmem>>
    %dma_wait3A_219 = arith.constant 0 : i32
    %dma_wait3A_220 = arith.constant 0 : i32
    %dma_wait3A_221 = tpu.memref_slice %arg2[%dma_wait3A_211, %dma_wait3A_219, %dma_wait3A_220] : memref<4x50048x128xf32, #tpu.memory_space<hbm>> -> memref<1x50048x128xf32, #tpu.memory_space<hbm>>
    %dma_wait3A_222 = tpu.memref_squeeze %dma_wait3A_221 : memref<1x50048x128xf32, #tpu.memory_space<hbm>> -> memref<50048x128xf32, #tpu.memory_space<hbm>>
    %dma_wait3A_223 = arith.constant 0 : i32
    %dma_wait3A_224 = arith.constant 0 : i32
    %dma_wait3A_225 = tpu.memref_slice %dma_wait3A_222[%dma_wait3A_223, %dma_wait3A_224] : memref<50048x128xf32, #tpu.memory_space<hbm>> -> memref<50048x128xf32, #tpu.memory_space<hbm>>
    tpu.wait_indirect_dma semaphore(%arg7 : memref<!tpu.dma_semaphore, #tpu.memory_space<semaphore_mem>>) src(%dma_wait3A_225 : memref<50048x128xf32, #tpu.memory_space<hbm>>) dst(%dma_wait3A_215 : memref<128x128xf32, #tpu.memory_space<vmem>>)
    %dma_wait3A_226 = arith.constant 1 : i32
    %dma_wait3A_227 = arith.constant 2 : i32
    %dma_wait3A_228 = arith.constant 256 : i32
    %dma_wait3A_229 = arith.constant 0 : i32
    %dma_wait3A_230 = tpu.memref_slice %arg6[%dma_wait3A_228, %dma_wait3A_229] : memref<512x128xf32, #tpu.memory_space<vmem>> -> memref<128x128xf32, #tpu.memory_space<vmem>>
    %dma_wait3A_231 = arith.constant 0 : i32
    %dma_wait3A_232 = tpu.memref_slice %arg5[%dma_wait3A_227, %dma_wait3A_231] : memref<4x128xi32, #tpu.memory_space<vmem>> -> memref<1x128xi32, #tpu.memory_space<vmem>>
    %dma_wait3A_233 = tpu.memref_squeeze %dma_wait3A_232 : memref<1x128xi32, #tpu.memory_space<vmem>> -> memref<128xi32, #tpu.memory_space<vmem>>
    %dma_wait3A_234 = arith.constant 0 : i32
    %dma_wait3A_235 = arith.constant 0 : i32
    %dma_wait3A_236 = tpu.memref_slice %arg2[%dma_wait3A_226, %dma_wait3A_234, %dma_wait3A_235] : memref<4x50048x128xf32, #tpu.memory_space<hbm>> -> memref<1x50048x128xf32, #tpu.memory_space<hbm>>
    %dma_wait3A_237 = tpu.memref_squeeze %dma_wait3A_236 : memref<1x50048x128xf32, #tpu.memory_space<hbm>> -> memref<50048x128xf32, #tpu.memory_space<hbm>>
    %dma_wait3A_238 = arith.constant 0 : i32
    %dma_wait3A_239 = arith.constant 0 : i32
    %dma_wait3A_240 = tpu.memref_slice %dma_wait3A_237[%dma_wait3A_238, %dma_wait3A_239] : memref<50048x128xf32, #tpu.memory_space<hbm>> -> memref<50048x128xf32, #tpu.memory_space<hbm>>
    tpu.wait_indirect_dma semaphore(%arg7 : memref<!tpu.dma_semaphore, #tpu.memory_space<semaphore_mem>>) src(%dma_wait3A_240 : memref<50048x128xf32, #tpu.memory_space<hbm>>) dst(%dma_wait3A_230 : memref<128x128xf32, #tpu.memory_space<vmem>>)
    %dma_wait3A_241 = arith.constant 1 : i32
    %dma_wait3A_242 = arith.constant 3 : i32
    %dma_wait3A_243 = arith.constant 384 : i32
    %dma_wait3A_244 = arith.constant 0 : i32
    %dma_wait3A_245 = tpu.memref_slice %arg6[%dma_wait3A_243, %dma_wait3A_244] : memref<512x128xf32, #tpu.memory_space<vmem>> -> memref<128x128xf32, #tpu.memory_space<vmem>>
    %dma_wait3A_246 = arith.constant 0 : i32
    %dma_wait3A_247 = tpu.memref_slice %arg5[%dma_wait3A_242, %dma_wait3A_246] : memref<4x128xi32, #tpu.memory_space<vmem>> -> memref<1x128xi32, #tpu.memory_space<vmem>>
    %dma_wait3A_248 = tpu.memref_squeeze %dma_wait3A_247 : memref<1x128xi32, #tpu.memory_space<vmem>> -> memref<128xi32, #tpu.memory_space<vmem>>
    %dma_wait3A_249 = arith.constant 0 : i32
    %dma_wait3A_250 = arith.constant 0 : i32
    %dma_wait3A_251 = tpu.memref_slice %arg2[%dma_wait3A_241, %dma_wait3A_249, %dma_wait3A_250] : memref<4x50048x128xf32, #tpu.memory_space<hbm>> -> memref<1x50048x128xf32, #tpu.memory_space<hbm>>
    %dma_wait3A_252 = tpu.memref_squeeze %dma_wait3A_251 : memref<1x50048x128xf32, #tpu.memory_space<hbm>> -> memref<50048x128xf32, #tpu.memory_space<hbm>>
    %dma_wait3A_253 = arith.constant 0 : i32
    %dma_wait3A_254 = arith.constant 0 : i32
    %dma_wait3A_255 = tpu.memref_slice %dma_wait3A_252[%dma_wait3A_253, %dma_wait3A_254] : memref<50048x128xf32, #tpu.memory_space<hbm>> -> memref<50048x128xf32, #tpu.memory_space<hbm>>
    tpu.wait_indirect_dma semaphore(%arg7 : memref<!tpu.dma_semaphore, #tpu.memory_space<semaphore_mem>>) src(%dma_wait3A_255 : memref<50048x128xf32, #tpu.memory_space<hbm>>) dst(%dma_wait3A_245 : memref<128x128xf32, #tpu.memory_space<vmem>>)
    %dma_start3A_256 = arith.constant 1 : i32
    %dma_start3A_257 = arith.constant 0 : i32
    %dma_start3A_258 = tpu.memref_slice %arg4[%dma_start3A_256, %mul3A_2, %dma_start3A_257] : memref<4x16384x128xf32, #tpu.memory_space<hbm>> -> memref<1x512x128xf32, #tpu.memory_space<hbm>>
    %dma_start3A_259 = tpu.memref_squeeze %dma_start3A_258 : memref<1x512x128xf32, #tpu.memory_space<hbm>> -> memref<512x128xf32, #tpu.memory_space<hbm>>
    %dma_start3A_260 = arith.constant 0 : i32
    %dma_start3A_261 = tpu.memref_slice %arg4[%dma_start3A_256, %mul3A_2, %dma_start3A_260] : memref<4x16384x128xf32, #tpu.memory_space<hbm>> -> memref<1x512x128xf32, #tpu.memory_space<hbm>>
    %dma_start3A_262 = tpu.memref_squeeze %dma_start3A_261 : memref<1x512x128xf32, #tpu.memory_space<hbm>> -> memref<512x128xf32, #tpu.memory_space<hbm>>
    tpu.enqueue_dma source(%arg6 : memref<512x128xf32, #tpu.memory_space<vmem>>) target(%dma_start3A_262 : memref<512x128xf32, #tpu.memory_space<hbm>>) target_semaphore(%arg8 : memref<!tpu.dma_semaphore, #tpu.memory_space<semaphore_mem>>)
    %dma_wait3A_263 = arith.constant 1 : i32
    %dma_wait3A_264 = arith.constant 0 : i32
    %dma_wait3A_265 = tpu.memref_slice %arg4[%dma_wait3A_263, %mul3A_2, %dma_wait3A_264] : memref<4x16384x128xf32, #tpu.memory_space<hbm>> -> memref<1x512x128xf32, #tpu.memory_space<hbm>>
    %dma_wait3A_266 = tpu.memref_squeeze %dma_wait3A_265 : memref<1x512x128xf32, #tpu.memory_space<hbm>> -> memref<512x128xf32, #tpu.memory_space<hbm>>
    %dma_wait3A_267 = arith.constant 0 : i32
    %dma_wait3A_268 = tpu.memref_slice %arg4[%dma_wait3A_263, %mul3A_2, %dma_wait3A_267] : memref<4x16384x128xf32, #tpu.memory_space<hbm>> -> memref<1x512x128xf32, #tpu.memory_space<hbm>>
    %dma_wait3A_269 = tpu.memref_squeeze %dma_wait3A_268 : memref<1x512x128xf32, #tpu.memory_space<hbm>> -> memref<512x128xf32, #tpu.memory_space<hbm>>
    tpu.wait_dma2 semaphore(%arg8 : memref<!tpu.dma_semaphore, #tpu.memory_space<semaphore_mem>>) src(%arg6 : memref<512x128xf32, #tpu.memory_space<vmem>>) dst(%dma_wait3A_269 : memref<512x128xf32, #tpu.memory_space<hbm>>)
    %run_scoped3A_270 = arith.constant 2 : i32
    "tpu.region"() ({
      %run_scoped3A_540 = tpu.sem_alloc : memref<!tpu.dma_semaphore, #tpu.memory_space<semaphore_mem>>
      %dma_start3A_541 = arith.constant 0 : i32
      %dma_start3A_542 = arith.constant 0 : i32
      %dma_start3A_543 = tpu.memref_slice %arg3[%run_scoped3A_270, %add3A, %dma_start3A_541, %dma_start3A_542] : memref<4x32x4x128xi32, #tpu.memory_space<hbm>> -> memref<1x1x4x128xi32, #tpu.memory_space<hbm>>
      %dma_start3A_544 = tpu.memref_squeeze %dma_start3A_543 : memref<1x1x4x128xi32, #tpu.memory_space<hbm>> -> memref<4x128xi32, #tpu.memory_space<hbm>>
      %dma_start3A_545 = arith.constant 0 : i32
      %dma_start3A_546 = arith.constant 0 : i32
      %dma_start3A_547 = tpu.memref_slice %arg3[%run_scoped3A_270, %add3A, %dma_start3A_545, %dma_start3A_546] : memref<4x32x4x128xi32, #tpu.memory_space<hbm>> -> memref<1x1x4x128xi32, #tpu.memory_space<hbm>>
      %dma_start3A_548 = tpu.memref_squeeze %dma_start3A_547 : memref<1x1x4x128xi32, #tpu.memory_space<hbm>> -> memref<4x128xi32, #tpu.memory_space<hbm>>
      tpu.enqueue_dma source(%dma_start3A_548 : memref<4x128xi32, #tpu.memory_space<hbm>>) target(%arg5 : memref<4x128xi32, #tpu.memory_space<vmem>>) target_semaphore(%run_scoped3A_540 : memref<!tpu.dma_semaphore, #tpu.memory_space<semaphore_mem>>)
      %dma_wait3A_549 = arith.constant 0 : i32
      %dma_wait3A_550 = arith.constant 0 : i32
      %dma_wait3A_551 = tpu.memref_slice %arg3[%run_scoped3A_270, %add3A, %dma_wait3A_549, %dma_wait3A_550] : memref<4x32x4x128xi32, #tpu.memory_space<hbm>> -> memref<1x1x4x128xi32, #tpu.memory_space<hbm>>
      %dma_wait3A_552 = tpu.memref_squeeze %dma_wait3A_551 : memref<1x1x4x128xi32, #tpu.memory_space<hbm>> -> memref<4x128xi32, #tpu.memory_space<hbm>>
      %dma_wait3A_553 = arith.constant 0 : i32
      %dma_wait3A_554 = arith.constant 0 : i32
      %dma_wait3A_555 = tpu.memref_slice %arg3[%run_scoped3A_270, %add3A, %dma_wait3A_553, %dma_wait3A_554] : memref<4x32x4x128xi32, #tpu.memory_space<hbm>> -> memref<1x1x4x128xi32, #tpu.memory_space<hbm>>
      %dma_wait3A_556 = tpu.memref_squeeze %dma_wait3A_555 : memref<1x1x4x128xi32, #tpu.memory_space<hbm>> -> memref<4x128xi32, #tpu.memory_space<hbm>>
      tpu.wait_dma2 semaphore(%run_scoped3A_540 : memref<!tpu.dma_semaphore, #tpu.memory_space<semaphore_mem>>) src(%dma_wait3A_556 : memref<4x128xi32, #tpu.memory_space<hbm>>) dst(%arg5 : memref<4x128xi32, #tpu.memory_space<vmem>>)
      tpu.yield
    }) : () -> ()
    %dma_start3A_271 = arith.constant 2 : i32
    %dma_start3A_272 = arith.constant 0 : i32
    %dma_start3A_273 = arith.constant 0 : i32
    %dma_start3A_274 = arith.constant 0 : i32
    %dma_start3A_275 = tpu.memref_slice %arg6[%dma_start3A_273, %dma_start3A_274] : memref<512x128xf32, #tpu.memory_space<vmem>> -> memref<128x128xf32, #tpu.memory_space<vmem>>
    %dma_start3A_276 = arith.constant 0 : i32
    %dma_start3A_277 = tpu.memref_slice %arg5[%dma_start3A_272, %dma_start3A_276] : memref<4x128xi32, #tpu.memory_space<vmem>> -> memref<1x128xi32, #tpu.memory_space<vmem>>
    %dma_start3A_278 = tpu.memref_squeeze %dma_start3A_277 : memref<1x128xi32, #tpu.memory_space<vmem>> -> memref<128xi32, #tpu.memory_space<vmem>>
    %dma_start3A_279 = arith.constant 0 : i32
    %dma_start3A_280 = arith.constant 0 : i32
    %dma_start3A_281 = tpu.memref_slice %arg2[%dma_start3A_271, %dma_start3A_279, %dma_start3A_280] : memref<4x50048x128xf32, #tpu.memory_space<hbm>> -> memref<1x50048x128xf32, #tpu.memory_space<hbm>>
    %dma_start3A_282 = tpu.memref_squeeze %dma_start3A_281 : memref<1x50048x128xf32, #tpu.memory_space<hbm>> -> memref<50048x128xf32, #tpu.memory_space<hbm>>
    %dma_start3A_283 = arith.constant 0 : i32
    %dma_start3A_284 = arith.constant 0 : i32
    %dma_start3A_285 = tpu.memref_slice %dma_start3A_282[%dma_start3A_283, %dma_start3A_284] : memref<50048x128xf32, #tpu.memory_space<hbm>> -> memref<50048x128xf32, #tpu.memory_space<hbm>>
    tpu.enqueue_indirect_dma source(%dma_start3A_285 : memref<50048x128xf32, #tpu.memory_space<hbm>>) target(%dma_start3A_275 : memref<128x128xf32, #tpu.memory_space<vmem>>) offsets(%dma_start3A_278 : memref<128xi32, #tpu.memory_space<vmem>>) semaphore(%arg7 : memref<!tpu.dma_semaphore, #tpu.memory_space<semaphore_mem>>)
    %dma_start3A_286 = arith.constant 2 : i32
    %dma_start3A_287 = arith.constant 1 : i32
    %dma_start3A_288 = arith.constant 128 : i32
    %dma_start3A_289 = arith.constant 0 : i32
    %dma_start3A_290 = tpu.memref_slice %arg6[%dma_start3A_288, %dma_start3A_289] : memref<512x128xf32, #tpu.memory_space<vmem>> -> memref<128x128xf32, #tpu.memory_space<vmem>>
    %dma_start3A_291 = arith.constant 0 : i32
    %dma_start3A_292 = tpu.memref_slice %arg5[%dma_start3A_287, %dma_start3A_291] : memref<4x128xi32, #tpu.memory_space<vmem>> -> memref<1x128xi32, #tpu.memory_space<vmem>>
    %dma_start3A_293 = tpu.memref_squeeze %dma_start3A_292 : memref<1x128xi32, #tpu.memory_space<vmem>> -> memref<128xi32, #tpu.memory_space<vmem>>
    %dma_start3A_294 = arith.constant 0 : i32
    %dma_start3A_295 = arith.constant 0 : i32
    %dma_start3A_296 = tpu.memref_slice %arg2[%dma_start3A_286, %dma_start3A_294, %dma_start3A_295] : memref<4x50048x128xf32, #tpu.memory_space<hbm>> -> memref<1x50048x128xf32, #tpu.memory_space<hbm>>
    %dma_start3A_297 = tpu.memref_squeeze %dma_start3A_296 : memref<1x50048x128xf32, #tpu.memory_space<hbm>> -> memref<50048x128xf32, #tpu.memory_space<hbm>>
    %dma_start3A_298 = arith.constant 0 : i32
    %dma_start3A_299 = arith.constant 0 : i32
    %dma_start3A_300 = tpu.memref_slice %dma_start3A_297[%dma_start3A_298, %dma_start3A_299] : memref<50048x128xf32, #tpu.memory_space<hbm>> -> memref<50048x128xf32, #tpu.memory_space<hbm>>
    tpu.enqueue_indirect_dma source(%dma_start3A_300 : memref<50048x128xf32, #tpu.memory_space<hbm>>) target(%dma_start3A_290 : memref<128x128xf32, #tpu.memory_space<vmem>>) offsets(%dma_start3A_293 : memref<128xi32, #tpu.memory_space<vmem>>) semaphore(%arg7 : memref<!tpu.dma_semaphore, #tpu.memory_space<semaphore_mem>>)
    %dma_start3A_301 = arith.constant 2 : i32
    %dma_start3A_302 = arith.constant 2 : i32
    %dma_start3A_303 = arith.constant 256 : i32
    %dma_start3A_304 = arith.constant 0 : i32
    %dma_start3A_305 = tpu.memref_slice %arg6[%dma_start3A_303, %dma_start3A_304] : memref<512x128xf32, #tpu.memory_space<vmem>> -> memref<128x128xf32, #tpu.memory_space<vmem>>
    %dma_start3A_306 = arith.constant 0 : i32
    %dma_start3A_307 = tpu.memref_slice %arg5[%dma_start3A_302, %dma_start3A_306] : memref<4x128xi32, #tpu.memory_space<vmem>> -> memref<1x128xi32, #tpu.memory_space<vmem>>
    %dma_start3A_308 = tpu.memref_squeeze %dma_start3A_307 : memref<1x128xi32, #tpu.memory_space<vmem>> -> memref<128xi32, #tpu.memory_space<vmem>>
    %dma_start3A_309 = arith.constant 0 : i32
    %dma_start3A_310 = arith.constant 0 : i32
    %dma_start3A_311 = tpu.memref_slice %arg2[%dma_start3A_301, %dma_start3A_309, %dma_start3A_310] : memref<4x50048x128xf32, #tpu.memory_space<hbm>> -> memref<1x50048x128xf32, #tpu.memory_space<hbm>>
    %dma_start3A_312 = tpu.memref_squeeze %dma_start3A_311 : memref<1x50048x128xf32, #tpu.memory_space<hbm>> -> memref<50048x128xf32, #tpu.memory_space<hbm>>
    %dma_start3A_313 = arith.constant 0 : i32
    %dma_start3A_314 = arith.constant 0 : i32
    %dma_start3A_315 = tpu.memref_slice %dma_start3A_312[%dma_start3A_313, %dma_start3A_314] : memref<50048x128xf32, #tpu.memory_space<hbm>> -> memref<50048x128xf32, #tpu.memory_space<hbm>>
    tpu.enqueue_indirect_dma source(%dma_start3A_315 : memref<50048x128xf32, #tpu.memory_space<hbm>>) target(%dma_start3A_305 : memref<128x128xf32, #tpu.memory_space<vmem>>) offsets(%dma_start3A_308 : memref<128xi32, #tpu.memory_space<vmem>>) semaphore(%arg7 : memref<!tpu.dma_semaphore, #tpu.memory_space<semaphore_mem>>)
    %dma_start3A_316 = arith.constant 2 : i32
    %dma_start3A_317 = arith.constant 3 : i32
    %dma_start3A_318 = arith.constant 384 : i32
    %dma_start3A_319 = arith.constant 0 : i32
    %dma_start3A_320 = tpu.memref_slice %arg6[%dma_start3A_318, %dma_start3A_319] : memref<512x128xf32, #tpu.memory_space<vmem>> -> memref<128x128xf32, #tpu.memory_space<vmem>>
    %dma_start3A_321 = arith.constant 0 : i32
    %dma_start3A_322 = tpu.memref_slice %arg5[%dma_start3A_317, %dma_start3A_321] : memref<4x128xi32, #tpu.memory_space<vmem>> -> memref<1x128xi32, #tpu.memory_space<vmem>>
    %dma_start3A_323 = tpu.memref_squeeze %dma_start3A_322 : memref<1x128xi32, #tpu.memory_space<vmem>> -> memref<128xi32, #tpu.memory_space<vmem>>
    %dma_start3A_324 = arith.constant 0 : i32
    %dma_start3A_325 = arith.constant 0 : i32
    %dma_start3A_326 = tpu.memref_slice %arg2[%dma_start3A_316, %dma_start3A_324, %dma_start3A_325] : memref<4x50048x128xf32, #tpu.memory_space<hbm>> -> memref<1x50048x128xf32, #tpu.memory_space<hbm>>
    %dma_start3A_327 = tpu.memref_squeeze %dma_start3A_326 : memref<1x50048x128xf32, #tpu.memory_space<hbm>> -> memref<50048x128xf32, #tpu.memory_space<hbm>>
    %dma_start3A_328 = arith.constant 0 : i32
    %dma_start3A_329 = arith.constant 0 : i32
    %dma_start3A_330 = tpu.memref_slice %dma_start3A_327[%dma_start3A_328, %dma_start3A_329] : memref<50048x128xf32, #tpu.memory_space<hbm>> -> memref<50048x128xf32, #tpu.memory_space<hbm>>
    tpu.enqueue_indirect_dma source(%dma_start3A_330 : memref<50048x128xf32, #tpu.memory_space<hbm>>) target(%dma_start3A_320 : memref<128x128xf32, #tpu.memory_space<vmem>>) offsets(%dma_start3A_323 : memref<128xi32, #tpu.memory_space<vmem>>) semaphore(%arg7 : memref<!tpu.dma_semaphore, #tpu.memory_space<semaphore_mem>>)
    %dma_wait3A_331 = arith.constant 2 : i32
    %dma_wait3A_332 = arith.constant 0 : i32
    %dma_wait3A_333 = arith.constant 0 : i32
    %dma_wait3A_334 = arith.constant 0 : i32
    %dma_wait3A_335 = tpu.memref_slice %arg6[%dma_wait3A_333, %dma_wait3A_334] : memref<512x128xf32, #tpu.memory_space<vmem>> -> memref<128x128xf32, #tpu.memory_space<vmem>>
    %dma_wait3A_336 = arith.constant 0 : i32
    %dma_wait3A_337 = tpu.memref_slice %arg5[%dma_wait3A_332, %dma_wait3A_336] : memref<4x128xi32, #tpu.memory_space<vmem>> -> memref<1x128xi32, #tpu.memory_space<vmem>>
    %dma_wait3A_338 = tpu.memref_squeeze %dma_wait3A_337 : memref<1x128xi32, #tpu.memory_space<vmem>> -> memref<128xi32, #tpu.memory_space<vmem>>
    %dma_wait3A_339 = arith.constant 0 : i32
    %dma_wait3A_340 = arith.constant 0 : i32
    %dma_wait3A_341 = tpu.memref_slice %arg2[%dma_wait3A_331, %dma_wait3A_339, %dma_wait3A_340] : memref<4x50048x128xf32, #tpu.memory_space<hbm>> -> memref<1x50048x128xf32, #tpu.memory_space<hbm>>
    %dma_wait3A_342 = tpu.memref_squeeze %dma_wait3A_341 : memref<1x50048x128xf32, #tpu.memory_space<hbm>> -> memref<50048x128xf32, #tpu.memory_space<hbm>>
    %dma_wait3A_343 = arith.constant 0 : i32
    %dma_wait3A_344 = arith.constant 0 : i32
    %dma_wait3A_345 = tpu.memref_slice %dma_wait3A_342[%dma_wait3A_343, %dma_wait3A_344] : memref<50048x128xf32, #tpu.memory_space<hbm>> -> memref<50048x128xf32, #tpu.memory_space<hbm>>
    tpu.wait_indirect_dma semaphore(%arg7 : memref<!tpu.dma_semaphore, #tpu.memory_space<semaphore_mem>>) src(%dma_wait3A_345 : memref<50048x128xf32, #tpu.memory_space<hbm>>) dst(%dma_wait3A_335 : memref<128x128xf32, #tpu.memory_space<vmem>>)
    %dma_wait3A_346 = arith.constant 2 : i32
    %dma_wait3A_347 = arith.constant 1 : i32
    %dma_wait3A_348 = arith.constant 128 : i32
    %dma_wait3A_349 = arith.constant 0 : i32
    %dma_wait3A_350 = tpu.memref_slice %arg6[%dma_wait3A_348, %dma_wait3A_349] : memref<512x128xf32, #tpu.memory_space<vmem>> -> memref<128x128xf32, #tpu.memory_space<vmem>>
    %dma_wait3A_351 = arith.constant 0 : i32
    %dma_wait3A_352 = tpu.memref_slice %arg5[%dma_wait3A_347, %dma_wait3A_351] : memref<4x128xi32, #tpu.memory_space<vmem>> -> memref<1x128xi32, #tpu.memory_space<vmem>>
    %dma_wait3A_353 = tpu.memref_squeeze %dma_wait3A_352 : memref<1x128xi32, #tpu.memory_space<vmem>> -> memref<128xi32, #tpu.memory_space<vmem>>
    %dma_wait3A_354 = arith.constant 0 : i32
    %dma_wait3A_355 = arith.constant 0 : i32
    %dma_wait3A_356 = tpu.memref_slice %arg2[%dma_wait3A_346, %dma_wait3A_354, %dma_wait3A_355] : memref<4x50048x128xf32, #tpu.memory_space<hbm>> -> memref<1x50048x128xf32, #tpu.memory_space<hbm>>
    %dma_wait3A_357 = tpu.memref_squeeze %dma_wait3A_356 : memref<1x50048x128xf32, #tpu.memory_space<hbm>> -> memref<50048x128xf32, #tpu.memory_space<hbm>>
    %dma_wait3A_358 = arith.constant 0 : i32
    %dma_wait3A_359 = arith.constant 0 : i32
    %dma_wait3A_360 = tpu.memref_slice %dma_wait3A_357[%dma_wait3A_358, %dma_wait3A_359] : memref<50048x128xf32, #tpu.memory_space<hbm>> -> memref<50048x128xf32, #tpu.memory_space<hbm>>
    tpu.wait_indirect_dma semaphore(%arg7 : memref<!tpu.dma_semaphore, #tpu.memory_space<semaphore_mem>>) src(%dma_wait3A_360 : memref<50048x128xf32, #tpu.memory_space<hbm>>) dst(%dma_wait3A_350 : memref<128x128xf32, #tpu.memory_space<vmem>>)
    %dma_wait3A_361 = arith.constant 2 : i32
    %dma_wait3A_362 = arith.constant 2 : i32
    %dma_wait3A_363 = arith.constant 256 : i32
    %dma_wait3A_364 = arith.constant 0 : i32
    %dma_wait3A_365 = tpu.memref_slice %arg6[%dma_wait3A_363, %dma_wait3A_364] : memref<512x128xf32, #tpu.memory_space<vmem>> -> memref<128x128xf32, #tpu.memory_space<vmem>>
    %dma_wait3A_366 = arith.constant 0 : i32
    %dma_wait3A_367 = tpu.memref_slice %arg5[%dma_wait3A_362, %dma_wait3A_366] : memref<4x128xi32, #tpu.memory_space<vmem>> -> memref<1x128xi32, #tpu.memory_space<vmem>>
    %dma_wait3A_368 = tpu.memref_squeeze %dma_wait3A_367 : memref<1x128xi32, #tpu.memory_space<vmem>> -> memref<128xi32, #tpu.memory_space<vmem>>
    %dma_wait3A_369 = arith.constant 0 : i32
    %dma_wait3A_370 = arith.constant 0 : i32
    %dma_wait3A_371 = tpu.memref_slice %arg2[%dma_wait3A_361, %dma_wait3A_369, %dma_wait3A_370] : memref<4x50048x128xf32, #tpu.memory_space<hbm>> -> memref<1x50048x128xf32, #tpu.memory_space<hbm>>
    %dma_wait3A_372 = tpu.memref_squeeze %dma_wait3A_371 : memref<1x50048x128xf32, #tpu.memory_space<hbm>> -> memref<50048x128xf32, #tpu.memory_space<hbm>>
    %dma_wait3A_373 = arith.constant 0 : i32
    %dma_wait3A_374 = arith.constant 0 : i32
    %dma_wait3A_375 = tpu.memref_slice %dma_wait3A_372[%dma_wait3A_373, %dma_wait3A_374] : memref<50048x128xf32, #tpu.memory_space<hbm>> -> memref<50048x128xf32, #tpu.memory_space<hbm>>
    tpu.wait_indirect_dma semaphore(%arg7 : memref<!tpu.dma_semaphore, #tpu.memory_space<semaphore_mem>>) src(%dma_wait3A_375 : memref<50048x128xf32, #tpu.memory_space<hbm>>) dst(%dma_wait3A_365 : memref<128x128xf32, #tpu.memory_space<vmem>>)
    %dma_wait3A_376 = arith.constant 2 : i32
    %dma_wait3A_377 = arith.constant 3 : i32
    %dma_wait3A_378 = arith.constant 384 : i32
    %dma_wait3A_379 = arith.constant 0 : i32
    %dma_wait3A_380 = tpu.memref_slice %arg6[%dma_wait3A_378, %dma_wait3A_379] : memref<512x128xf32, #tpu.memory_space<vmem>> -> memref<128x128xf32, #tpu.memory_space<vmem>>
    %dma_wait3A_381 = arith.constant 0 : i32
    %dma_wait3A_382 = tpu.memref_slice %arg5[%dma_wait3A_377, %dma_wait3A_381] : memref<4x128xi32, #tpu.memory_space<vmem>> -> memref<1x128xi32, #tpu.memory_space<vmem>>
    %dma_wait3A_383 = tpu.memref_squeeze %dma_wait3A_382 : memref<1x128xi32, #tpu.memory_space<vmem>> -> memref<128xi32, #tpu.memory_space<vmem>>
    %dma_wait3A_384 = arith.constant 0 : i32
    %dma_wait3A_385 = arith.constant 0 : i32
    %dma_wait3A_386 = tpu.memref_slice %arg2[%dma_wait3A_376, %dma_wait3A_384, %dma_wait3A_385] : memref<4x50048x128xf32, #tpu.memory_space<hbm>> -> memref<1x50048x128xf32, #tpu.memory_space<hbm>>
    %dma_wait3A_387 = tpu.memref_squeeze %dma_wait3A_386 : memref<1x50048x128xf32, #tpu.memory_space<hbm>> -> memref<50048x128xf32, #tpu.memory_space<hbm>>
    %dma_wait3A_388 = arith.constant 0 : i32
    %dma_wait3A_389 = arith.constant 0 : i32
    %dma_wait3A_390 = tpu.memref_slice %dma_wait3A_387[%dma_wait3A_388, %dma_wait3A_389] : memref<50048x128xf32, #tpu.memory_space<hbm>> -> memref<50048x128xf32, #tpu.memory_space<hbm>>
    tpu.wait_indirect_dma semaphore(%arg7 : memref<!tpu.dma_semaphore, #tpu.memory_space<semaphore_mem>>) src(%dma_wait3A_390 : memref<50048x128xf32, #tpu.memory_space<hbm>>) dst(%dma_wait3A_380 : memref<128x128xf32, #tpu.memory_space<vmem>>)
    %dma_start3A_391 = arith.constant 2 : i32
    %dma_start3A_392 = arith.constant 0 : i32
    %dma_start3A_393 = tpu.memref_slice %arg4[%dma_start3A_391, %mul3A_2, %dma_start3A_392] : memref<4x16384x128xf32, #tpu.memory_space<hbm>> -> memref<1x512x128xf32, #tpu.memory_space<hbm>>
    %dma_start3A_394 = tpu.memref_squeeze %dma_start3A_393 : memref<1x512x128xf32, #tpu.memory_space<hbm>> -> memref<512x128xf32, #tpu.memory_space<hbm>>
    %dma_start3A_395 = arith.constant 0 : i32
    %dma_start3A_396 = tpu.memref_slice %arg4[%dma_start3A_391, %mul3A_2, %dma_start3A_395] : memref<4x16384x128xf32, #tpu.memory_space<hbm>> -> memref<1x512x128xf32, #tpu.memory_space<hbm>>
    %dma_start3A_397 = tpu.memref_squeeze %dma_start3A_396 : memref<1x512x128xf32, #tpu.memory_space<hbm>> -> memref<512x128xf32, #tpu.memory_space<hbm>>
    tpu.enqueue_dma source(%arg6 : memref<512x128xf32, #tpu.memory_space<vmem>>) target(%dma_start3A_397 : memref<512x128xf32, #tpu.memory_space<hbm>>) target_semaphore(%arg8 : memref<!tpu.dma_semaphore, #tpu.memory_space<semaphore_mem>>)
    %dma_wait3A_398 = arith.constant 2 : i32
    %dma_wait3A_399 = arith.constant 0 : i32
    %dma_wait3A_400 = tpu.memref_slice %arg4[%dma_wait3A_398, %mul3A_2, %dma_wait3A_399] : memref<4x16384x128xf32, #tpu.memory_space<hbm>> -> memref<1x512x128xf32, #tpu.memory_space<hbm>>
    %dma_wait3A_401 = tpu.memref_squeeze %dma_wait3A_400 : memref<1x512x128xf32, #tpu.memory_space<hbm>> -> memref<512x128xf32, #tpu.memory_space<hbm>>
    %dma_wait3A_402 = arith.constant 0 : i32
    %dma_wait3A_403 = tpu.memref_slice %arg4[%dma_wait3A_398, %mul3A_2, %dma_wait3A_402] : memref<4x16384x128xf32, #tpu.memory_space<hbm>> -> memref<1x512x128xf32, #tpu.memory_space<hbm>>
    %dma_wait3A_404 = tpu.memref_squeeze %dma_wait3A_403 : memref<1x512x128xf32, #tpu.memory_space<hbm>> -> memref<512x128xf32, #tpu.memory_space<hbm>>
    tpu.wait_dma2 semaphore(%arg8 : memref<!tpu.dma_semaphore, #tpu.memory_space<semaphore_mem>>) src(%arg6 : memref<512x128xf32, #tpu.memory_space<vmem>>) dst(%dma_wait3A_404 : memref<512x128xf32, #tpu.memory_space<hbm>>)
    %run_scoped3A_405 = arith.constant 3 : i32
    "tpu.region"() ({
      %run_scoped3A_540 = tpu.sem_alloc : memref<!tpu.dma_semaphore, #tpu.memory_space<semaphore_mem>>
      %dma_start3A_541 = arith.constant 0 : i32
      %dma_start3A_542 = arith.constant 0 : i32
      %dma_start3A_543 = tpu.memref_slice %arg3[%run_scoped3A_405, %add3A, %dma_start3A_541, %dma_start3A_542] : memref<4x32x4x128xi32, #tpu.memory_space<hbm>> -> memref<1x1x4x128xi32, #tpu.memory_space<hbm>>
      %dma_start3A_544 = tpu.memref_squeeze %dma_start3A_543 : memref<1x1x4x128xi32, #tpu.memory_space<hbm>> -> memref<4x128xi32, #tpu.memory_space<hbm>>
      %dma_start3A_545 = arith.constant 0 : i32
      %dma_start3A_546 = arith.constant 0 : i32
      %dma_start3A_547 = tpu.memref_slice %arg3[%run_scoped3A_405, %add3A, %dma_start3A_545, %dma_start3A_546] : memref<4x32x4x128xi32, #tpu.memory_space<hbm>> -> memref<1x1x4x128xi32, #tpu.memory_space<hbm>>
      %dma_start3A_548 = tpu.memref_squeeze %dma_start3A_547 : memref<1x1x4x128xi32, #tpu.memory_space<hbm>> -> memref<4x128xi32, #tpu.memory_space<hbm>>
      tpu.enqueue_dma source(%dma_start3A_548 : memref<4x128xi32, #tpu.memory_space<hbm>>) target(%arg5 : memref<4x128xi32, #tpu.memory_space<vmem>>) target_semaphore(%run_scoped3A_540 : memref<!tpu.dma_semaphore, #tpu.memory_space<semaphore_mem>>)
      %dma_wait3A_549 = arith.constant 0 : i32
      %dma_wait3A_550 = arith.constant 0 : i32
      %dma_wait3A_551 = tpu.memref_slice %arg3[%run_scoped3A_405, %add3A, %dma_wait3A_549, %dma_wait3A_550] : memref<4x32x4x128xi32, #tpu.memory_space<hbm>> -> memref<1x1x4x128xi32, #tpu.memory_space<hbm>>
      %dma_wait3A_552 = tpu.memref_squeeze %dma_wait3A_551 : memref<1x1x4x128xi32, #tpu.memory_space<hbm>> -> memref<4x128xi32, #tpu.memory_space<hbm>>
      %dma_wait3A_553 = arith.constant 0 : i32
      %dma_wait3A_554 = arith.constant 0 : i32
      %dma_wait3A_555 = tpu.memref_slice %arg3[%run_scoped3A_405, %add3A, %dma_wait3A_553, %dma_wait3A_554] : memref<4x32x4x128xi32, #tpu.memory_space<hbm>> -> memref<1x1x4x128xi32, #tpu.memory_space<hbm>>
      %dma_wait3A_556 = tpu.memref_squeeze %dma_wait3A_555 : memref<1x1x4x128xi32, #tpu.memory_space<hbm>> -> memref<4x128xi32, #tpu.memory_space<hbm>>
      tpu.wait_dma2 semaphore(%run_scoped3A_540 : memref<!tpu.dma_semaphore, #tpu.memory_space<semaphore_mem>>) src(%dma_wait3A_556 : memref<4x128xi32, #tpu.memory_space<hbm>>) dst(%arg5 : memref<4x128xi32, #tpu.memory_space<vmem>>)
      tpu.yield
    }) : () -> ()
    %dma_start3A_406 = arith.constant 3 : i32
    %dma_start3A_407 = arith.constant 0 : i32
    %dma_start3A_408 = arith.constant 0 : i32
    %dma_start3A_409 = arith.constant 0 : i32
    %dma_start3A_410 = tpu.memref_slice %arg6[%dma_start3A_408, %dma_start3A_409] : memref<512x128xf32, #tpu.memory_space<vmem>> -> memref<128x128xf32, #tpu.memory_space<vmem>>
    %dma_start3A_411 = arith.constant 0 : i32
    %dma_start3A_412 = tpu.memref_slice %arg5[%dma_start3A_407, %dma_start3A_411] : memref<4x128xi32, #tpu.memory_space<vmem>> -> memref<1x128xi32, #tpu.memory_space<vmem>>
    %dma_start3A_413 = tpu.memref_squeeze %dma_start3A_412 : memref<1x128xi32, #tpu.memory_space<vmem>> -> memref<128xi32, #tpu.memory_space<vmem>>
    %dma_start3A_414 = arith.constant 0 : i32
    %dma_start3A_415 = arith.constant 0 : i32
    %dma_start3A_416 = tpu.memref_slice %arg2[%dma_start3A_406, %dma_start3A_414, %dma_start3A_415] : memref<4x50048x128xf32, #tpu.memory_space<hbm>> -> memref<1x50048x128xf32, #tpu.memory_space<hbm>>
    %dma_start3A_417 = tpu.memref_squeeze %dma_start3A_416 : memref<1x50048x128xf32, #tpu.memory_space<hbm>> -> memref<50048x128xf32, #tpu.memory_space<hbm>>
    %dma_start3A_418 = arith.constant 0 : i32
    %dma_start3A_419 = arith.constant 0 : i32
    %dma_start3A_420 = tpu.memref_slice %dma_start3A_417[%dma_start3A_418, %dma_start3A_419] : memref<50048x128xf32, #tpu.memory_space<hbm>> -> memref<50048x128xf32, #tpu.memory_space<hbm>>
    tpu.enqueue_indirect_dma source(%dma_start3A_420 : memref<50048x128xf32, #tpu.memory_space<hbm>>) target(%dma_start3A_410 : memref<128x128xf32, #tpu.memory_space<vmem>>) offsets(%dma_start3A_413 : memref<128xi32, #tpu.memory_space<vmem>>) semaphore(%arg7 : memref<!tpu.dma_semaphore, #tpu.memory_space<semaphore_mem>>)
    %dma_start3A_421 = arith.constant 3 : i32
    %dma_start3A_422 = arith.constant 1 : i32
    %dma_start3A_423 = arith.constant 128 : i32
    %dma_start3A_424 = arith.constant 0 : i32
    %dma_start3A_425 = tpu.memref_slice %arg6[%dma_start3A_423, %dma_start3A_424] : memref<512x128xf32, #tpu.memory_space<vmem>> -> memref<128x128xf32, #tpu.memory_space<vmem>>
    %dma_start3A_426 = arith.constant 0 : i32
    %dma_start3A_427 = tpu.memref_slice %arg5[%dma_start3A_422, %dma_start3A_426] : memref<4x128xi32, #tpu.memory_space<vmem>> -> memref<1x128xi32, #tpu.memory_space<vmem>>
    %dma_start3A_428 = tpu.memref_squeeze %dma_start3A_427 : memref<1x128xi32, #tpu.memory_space<vmem>> -> memref<128xi32, #tpu.memory_space<vmem>>
    %dma_start3A_429 = arith.constant 0 : i32
    %dma_start3A_430 = arith.constant 0 : i32
    %dma_start3A_431 = tpu.memref_slice %arg2[%dma_start3A_421, %dma_start3A_429, %dma_start3A_430] : memref<4x50048x128xf32, #tpu.memory_space<hbm>> -> memref<1x50048x128xf32, #tpu.memory_space<hbm>>
    %dma_start3A_432 = tpu.memref_squeeze %dma_start3A_431 : memref<1x50048x128xf32, #tpu.memory_space<hbm>> -> memref<50048x128xf32, #tpu.memory_space<hbm>>
    %dma_start3A_433 = arith.constant 0 : i32
    %dma_start3A_434 = arith.constant 0 : i32
    %dma_start3A_435 = tpu.memref_slice %dma_start3A_432[%dma_start3A_433, %dma_start3A_434] : memref<50048x128xf32, #tpu.memory_space<hbm>> -> memref<50048x128xf32, #tpu.memory_space<hbm>>
    tpu.enqueue_indirect_dma source(%dma_start3A_435 : memref<50048x128xf32, #tpu.memory_space<hbm>>) target(%dma_start3A_425 : memref<128x128xf32, #tpu.memory_space<vmem>>) offsets(%dma_start3A_428 : memref<128xi32, #tpu.memory_space<vmem>>) semaphore(%arg7 : memref<!tpu.dma_semaphore, #tpu.memory_space<semaphore_mem>>)
    %dma_start3A_436 = arith.constant 3 : i32
    %dma_start3A_437 = arith.constant 2 : i32
    %dma_start3A_438 = arith.constant 256 : i32
    %dma_start3A_439 = arith.constant 0 : i32
    %dma_start3A_440 = tpu.memref_slice %arg6[%dma_start3A_438, %dma_start3A_439] : memref<512x128xf32, #tpu.memory_space<vmem>> -> memref<128x128xf32, #tpu.memory_space<vmem>>
    %dma_start3A_441 = arith.constant 0 : i32
    %dma_start3A_442 = tpu.memref_slice %arg5[%dma_start3A_437, %dma_start3A_441] : memref<4x128xi32, #tpu.memory_space<vmem>> -> memref<1x128xi32, #tpu.memory_space<vmem>>
    %dma_start3A_443 = tpu.memref_squeeze %dma_start3A_442 : memref<1x128xi32, #tpu.memory_space<vmem>> -> memref<128xi32, #tpu.memory_space<vmem>>
    %dma_start3A_444 = arith.constant 0 : i32
    %dma_start3A_445 = arith.constant 0 : i32
    %dma_start3A_446 = tpu.memref_slice %arg2[%dma_start3A_436, %dma_start3A_444, %dma_start3A_445] : memref<4x50048x128xf32, #tpu.memory_space<hbm>> -> memref<1x50048x128xf32, #tpu.memory_space<hbm>>
    %dma_start3A_447 = tpu.memref_squeeze %dma_start3A_446 : memref<1x50048x128xf32, #tpu.memory_space<hbm>> -> memref<50048x128xf32, #tpu.memory_space<hbm>>
    %dma_start3A_448 = arith.constant 0 : i32
    %dma_start3A_449 = arith.constant 0 : i32
    %dma_start3A_450 = tpu.memref_slice %dma_start3A_447[%dma_start3A_448, %dma_start3A_449] : memref<50048x128xf32, #tpu.memory_space<hbm>> -> memref<50048x128xf32, #tpu.memory_space<hbm>>
    tpu.enqueue_indirect_dma source(%dma_start3A_450 : memref<50048x128xf32, #tpu.memory_space<hbm>>) target(%dma_start3A_440 : memref<128x128xf32, #tpu.memory_space<vmem>>) offsets(%dma_start3A_443 : memref<128xi32, #tpu.memory_space<vmem>>) semaphore(%arg7 : memref<!tpu.dma_semaphore, #tpu.memory_space<semaphore_mem>>)
    %dma_start3A_451 = arith.constant 3 : i32
    %dma_start3A_452 = arith.constant 3 : i32
    %dma_start3A_453 = arith.constant 384 : i32
    %dma_start3A_454 = arith.constant 0 : i32
    %dma_start3A_455 = tpu.memref_slice %arg6[%dma_start3A_453, %dma_start3A_454] : memref<512x128xf32, #tpu.memory_space<vmem>> -> memref<128x128xf32, #tpu.memory_space<vmem>>
    %dma_start3A_456 = arith.constant 0 : i32
    %dma_start3A_457 = tpu.memref_slice %arg5[%dma_start3A_452, %dma_start3A_456] : memref<4x128xi32, #tpu.memory_space<vmem>> -> memref<1x128xi32, #tpu.memory_space<vmem>>
    %dma_start3A_458 = tpu.memref_squeeze %dma_start3A_457 : memref<1x128xi32, #tpu.memory_space<vmem>> -> memref<128xi32, #tpu.memory_space<vmem>>
    %dma_start3A_459 = arith.constant 0 : i32
    %dma_start3A_460 = arith.constant 0 : i32
    %dma_start3A_461 = tpu.memref_slice %arg2[%dma_start3A_451, %dma_start3A_459, %dma_start3A_460] : memref<4x50048x128xf32, #tpu.memory_space<hbm>> -> memref<1x50048x128xf32, #tpu.memory_space<hbm>>
    %dma_start3A_462 = tpu.memref_squeeze %dma_start3A_461 : memref<1x50048x128xf32, #tpu.memory_space<hbm>> -> memref<50048x128xf32, #tpu.memory_space<hbm>>
    %dma_start3A_463 = arith.constant 0 : i32
    %dma_start3A_464 = arith.constant 0 : i32
    %dma_start3A_465 = tpu.memref_slice %dma_start3A_462[%dma_start3A_463, %dma_start3A_464] : memref<50048x128xf32, #tpu.memory_space<hbm>> -> memref<50048x128xf32, #tpu.memory_space<hbm>>
    tpu.enqueue_indirect_dma source(%dma_start3A_465 : memref<50048x128xf32, #tpu.memory_space<hbm>>) target(%dma_start3A_455 : memref<128x128xf32, #tpu.memory_space<vmem>>) offsets(%dma_start3A_458 : memref<128xi32, #tpu.memory_space<vmem>>) semaphore(%arg7 : memref<!tpu.dma_semaphore, #tpu.memory_space<semaphore_mem>>)
    %dma_wait3A_466 = arith.constant 3 : i32
    %dma_wait3A_467 = arith.constant 0 : i32
    %dma_wait3A_468 = arith.constant 0 : i32
    %dma_wait3A_469 = arith.constant 0 : i32
    %dma_wait3A_470 = tpu.memref_slice %arg6[%dma_wait3A_468, %dma_wait3A_469] : memref<512x128xf32, #tpu.memory_space<vmem>> -> memref<128x128xf32, #tpu.memory_space<vmem>>
    %dma_wait3A_471 = arith.constant 0 : i32
    %dma_wait3A_472 = tpu.memref_slice %arg5[%dma_wait3A_467, %dma_wait3A_471] : memref<4x128xi32, #tpu.memory_space<vmem>> -> memref<1x128xi32, #tpu.memory_space<vmem>>
    %dma_wait3A_473 = tpu.memref_squeeze %dma_wait3A_472 : memref<1x128xi32, #tpu.memory_space<vmem>> -> memref<128xi32, #tpu.memory_space<vmem>>
    %dma_wait3A_474 = arith.constant 0 : i32
    %dma_wait3A_475 = arith.constant 0 : i32
    %dma_wait3A_476 = tpu.memref_slice %arg2[%dma_wait3A_466, %dma_wait3A_474, %dma_wait3A_475] : memref<4x50048x128xf32, #tpu.memory_space<hbm>> -> memref<1x50048x128xf32, #tpu.memory_space<hbm>>
    %dma_wait3A_477 = tpu.memref_squeeze %dma_wait3A_476 : memref<1x50048x128xf32, #tpu.memory_space<hbm>> -> memref<50048x128xf32, #tpu.memory_space<hbm>>
    %dma_wait3A_478 = arith.constant 0 : i32
    %dma_wait3A_479 = arith.constant 0 : i32
    %dma_wait3A_480 = tpu.memref_slice %dma_wait3A_477[%dma_wait3A_478, %dma_wait3A_479] : memref<50048x128xf32, #tpu.memory_space<hbm>> -> memref<50048x128xf32, #tpu.memory_space<hbm>>
    tpu.wait_indirect_dma semaphore(%arg7 : memref<!tpu.dma_semaphore, #tpu.memory_space<semaphore_mem>>) src(%dma_wait3A_480 : memref<50048x128xf32, #tpu.memory_space<hbm>>) dst(%dma_wait3A_470 : memref<128x128xf32, #tpu.memory_space<vmem>>)
    %dma_wait3A_481 = arith.constant 3 : i32
    %dma_wait3A_482 = arith.constant 1 : i32
    %dma_wait3A_483 = arith.constant 128 : i32
    %dma_wait3A_484 = arith.constant 0 : i32
    %dma_wait3A_485 = tpu.memref_slice %arg6[%dma_wait3A_483, %dma_wait3A_484] : memref<512x128xf32, #tpu.memory_space<vmem>> -> memref<128x128xf32, #tpu.memory_space<vmem>>
    %dma_wait3A_486 = arith.constant 0 : i32
    %dma_wait3A_487 = tpu.memref_slice %arg5[%dma_wait3A_482, %dma_wait3A_486] : memref<4x128xi32, #tpu.memory_space<vmem>> -> memref<1x128xi32, #tpu.memory_space<vmem>>
    %dma_wait3A_488 = tpu.memref_squeeze %dma_wait3A_487 : memref<1x128xi32, #tpu.memory_space<vmem>> -> memref<128xi32, #tpu.memory_space<vmem>>
    %dma_wait3A_489 = arith.constant 0 : i32
    %dma_wait3A_490 = arith.constant 0 : i32
    %dma_wait3A_491 = tpu.memref_slice %arg2[%dma_wait3A_481, %dma_wait3A_489, %dma_wait3A_490] : memref<4x50048x128xf32, #tpu.memory_space<hbm>> -> memref<1x50048x128xf32, #tpu.memory_space<hbm>>
    %dma_wait3A_492 = tpu.memref_squeeze %dma_wait3A_491 : memref<1x50048x128xf32, #tpu.memory_space<hbm>> -> memref<50048x128xf32, #tpu.memory_space<hbm>>
    %dma_wait3A_493 = arith.constant 0 : i32
    %dma_wait3A_494 = arith.constant 0 : i32
    %dma_wait3A_495 = tpu.memref_slice %dma_wait3A_492[%dma_wait3A_493, %dma_wait3A_494] : memref<50048x128xf32, #tpu.memory_space<hbm>> -> memref<50048x128xf32, #tpu.memory_space<hbm>>
    tpu.wait_indirect_dma semaphore(%arg7 : memref<!tpu.dma_semaphore, #tpu.memory_space<semaphore_mem>>) src(%dma_wait3A_495 : memref<50048x128xf32, #tpu.memory_space<hbm>>) dst(%dma_wait3A_485 : memref<128x128xf32, #tpu.memory_space<vmem>>)
    %dma_wait3A_496 = arith.constant 3 : i32
    %dma_wait3A_497 = arith.constant 2 : i32
    %dma_wait3A_498 = arith.constant 256 : i32
    %dma_wait3A_499 = arith.constant 0 : i32
    %dma_wait3A_500 = tpu.memref_slice %arg6[%dma_wait3A_498, %dma_wait3A_499] : memref<512x128xf32, #tpu.memory_space<vmem>> -> memref<128x128xf32, #tpu.memory_space<vmem>>
    %dma_wait3A_501 = arith.constant 0 : i32
    %dma_wait3A_502 = tpu.memref_slice %arg5[%dma_wait3A_497, %dma_wait3A_501] : memref<4x128xi32, #tpu.memory_space<vmem>> -> memref<1x128xi32, #tpu.memory_space<vmem>>
    %dma_wait3A_503 = tpu.memref_squeeze %dma_wait3A_502 : memref<1x128xi32, #tpu.memory_space<vmem>> -> memref<128xi32, #tpu.memory_space<vmem>>
    %dma_wait3A_504 = arith.constant 0 : i32
    %dma_wait3A_505 = arith.constant 0 : i32
    %dma_wait3A_506 = tpu.memref_slice %arg2[%dma_wait3A_496, %dma_wait3A_504, %dma_wait3A_505] : memref<4x50048x128xf32, #tpu.memory_space<hbm>> -> memref<1x50048x128xf32, #tpu.memory_space<hbm>>
    %dma_wait3A_507 = tpu.memref_squeeze %dma_wait3A_506 : memref<1x50048x128xf32, #tpu.memory_space<hbm>> -> memref<50048x128xf32, #tpu.memory_space<hbm>>
    %dma_wait3A_508 = arith.constant 0 : i32
    %dma_wait3A_509 = arith.constant 0 : i32
    %dma_wait3A_510 = tpu.memref_slice %dma_wait3A_507[%dma_wait3A_508, %dma_wait3A_509] : memref<50048x128xf32, #tpu.memory_space<hbm>> -> memref<50048x128xf32, #tpu.memory_space<hbm>>
    tpu.wait_indirect_dma semaphore(%arg7 : memref<!tpu.dma_semaphore, #tpu.memory_space<semaphore_mem>>) src(%dma_wait3A_510 : memref<50048x128xf32, #tpu.memory_space<hbm>>) dst(%dma_wait3A_500 : memref<128x128xf32, #tpu.memory_space<vmem>>)
    %dma_wait3A_511 = arith.constant 3 : i32
    %dma_wait3A_512 = arith.constant 3 : i32
    %dma_wait3A_513 = arith.constant 384 : i32
    %dma_wait3A_514 = arith.constant 0 : i32
    %dma_wait3A_515 = tpu.memref_slice %arg6[%dma_wait3A_513, %dma_wait3A_514] : memref<512x128xf32, #tpu.memory_space<vmem>> -> memref<128x128xf32, #tpu.memory_space<vmem>>
    %dma_wait3A_516 = arith.constant 0 : i32
    %dma_wait3A_517 = tpu.memref_slice %arg5[%dma_wait3A_512, %dma_wait3A_516] : memref<4x128xi32, #tpu.memory_space<vmem>> -> memref<1x128xi32, #tpu.memory_space<vmem>>
    %dma_wait3A_518 = tpu.memref_squeeze %dma_wait3A_517 : memref<1x128xi32, #tpu.memory_space<vmem>> -> memref<128xi32, #tpu.memory_space<vmem>>
    %dma_wait3A_519 = arith.constant 0 : i32
    %dma_wait3A_520 = arith.constant 0 : i32
    %dma_wait3A_521 = tpu.memref_slice %arg2[%dma_wait3A_511, %dma_wait3A_519, %dma_wait3A_520] : memref<4x50048x128xf32, #tpu.memory_space<hbm>> -> memref<1x50048x128xf32, #tpu.memory_space<hbm>>
    %dma_wait3A_522 = tpu.memref_squeeze %dma_wait3A_521 : memref<1x50048x128xf32, #tpu.memory_space<hbm>> -> memref<50048x128xf32, #tpu.memory_space<hbm>>
    %dma_wait3A_523 = arith.constant 0 : i32
    %dma_wait3A_524 = arith.constant 0 : i32
    %dma_wait3A_525 = tpu.memref_slice %dma_wait3A_522[%dma_wait3A_523, %dma_wait3A_524] : memref<50048x128xf32, #tpu.memory_space<hbm>> -> memref<50048x128xf32, #tpu.memory_space<hbm>>
    tpu.wait_indirect_dma semaphore(%arg7 : memref<!tpu.dma_semaphore, #tpu.memory_space<semaphore_mem>>) src(%dma_wait3A_525 : memref<50048x128xf32, #tpu.memory_space<hbm>>) dst(%dma_wait3A_515 : memref<128x128xf32, #tpu.memory_space<vmem>>)
    %dma_start3A_526 = arith.constant 3 : i32
    %dma_start3A_527 = arith.constant 0 : i32
    %dma_start3A_528 = tpu.memref_slice %arg4[%dma_start3A_526, %mul3A_2, %dma_start3A_527] : memref<4x16384x128xf32, #tpu.memory_space<hbm>> -> memref<1x512x128xf32, #tpu.memory_space<hbm>>
    %dma_start3A_529 = tpu.memref_squeeze %dma_start3A_528 : memref<1x512x128xf32, #tpu.memory_space<hbm>> -> memref<512x128xf32, #tpu.memory_space<hbm>>
    %dma_start3A_530 = arith.constant 0 : i32
    %dma_start3A_531 = tpu.memref_slice %arg4[%dma_start3A_526, %mul3A_2, %dma_start3A_530] : memref<4x16384x128xf32, #tpu.memory_space<hbm>> -> memref<1x512x128xf32, #tpu.memory_space<hbm>>
    %dma_start3A_532 = tpu.memref_squeeze %dma_start3A_531 : memref<1x512x128xf32, #tpu.memory_space<hbm>> -> memref<512x128xf32, #tpu.memory_space<hbm>>
    tpu.enqueue_dma source(%arg6 : memref<512x128xf32, #tpu.memory_space<vmem>>) target(%dma_start3A_532 : memref<512x128xf32, #tpu.memory_space<hbm>>) target_semaphore(%arg8 : memref<!tpu.dma_semaphore, #tpu.memory_space<semaphore_mem>>)
    %dma_wait3A_533 = arith.constant 3 : i32
    %dma_wait3A_534 = arith.constant 0 : i32
    %dma_wait3A_535 = tpu.memref_slice %arg4[%dma_wait3A_533, %mul3A_2, %dma_wait3A_534] : memref<4x16384x128xf32, #tpu.memory_space<hbm>> -> memref<1x512x128xf32, #tpu.memory_space<hbm>>
    %dma_wait3A_536 = tpu.memref_squeeze %dma_wait3A_535 : memref<1x512x128xf32, #tpu.memory_space<hbm>> -> memref<512x128xf32, #tpu.memory_space<hbm>>
    %dma_wait3A_537 = arith.constant 0 : i32
    %dma_wait3A_538 = tpu.memref_slice %arg4[%dma_wait3A_533, %mul3A_2, %dma_wait3A_537] : memref<4x16384x128xf32, #tpu.memory_space<hbm>> -> memref<1x512x128xf32, #tpu.memory_space<hbm>>
    %dma_wait3A_539 = tpu.memref_squeeze %dma_wait3A_538 : memref<1x512x128xf32, #tpu.memory_space<hbm>> -> memref<512x128xf32, #tpu.memory_space<hbm>>
    tpu.wait_dma2 semaphore(%arg8 : memref<!tpu.dma_semaphore, #tpu.memory_space<semaphore_mem>>) src(%arg6 : memref<512x128xf32, #tpu.memory_space<vmem>>) dst(%dma_wait3A_539 : memref<512x128xf32, #tpu.memory_space<hbm>>)
    return
  }
}

module attributes {stable_mosaic.version = 14 : i64} {
  func.func @body(%arg0: i32, %arg1: memref<256x4352xf32, #tpu.memory_space<vmem>>, %arg2: memref<1x1xf32, #tpu.memory_space<smem>>, %arg3: memref<4x2176x128xf32, #tpu.memory_space<vmem>>, %arg4: memref<256x4352xf32, #tpu.memory_space<vmem>>) attributes {dimension_semantics = [#tpu.dimension_semantics<arbitrary>], iteration_bounds = array<i64: 23>, scalar_prefetch = 0 : i64, scratch_operands = 1 : i64, tpu.core_type = #tpu.core_type<tc>, window_params = [{transform_indices = @transform_0, window_bounds = array<i64: 256, 4352>}, {transform_indices = @transform_1, window_bounds = array<i64: 1, 1>}, {transform_indices = @transform_2, window_bounds = array<i64: 4, 2176, 128>}]} {
    %eq3A = arith.constant 0 : i32
    %eq3A_0 = arith.cmpi eq, %arg0, %eq3A : i32
    %convert_element_type3A = arith.extui %eq3A_0 : i1 to i32
    %cond3A = arith.constant 0 : i32
    %cond3A_1 = arith.cmpi ne, %convert_element_type3A, %cond3A : i32
    scf.if %cond3A_1 {
      %broadcast_in_dim3A_44 = arith.constant 0.000000e+00 : f32
      %broadcast_in_dim3A_45 = vector.broadcast %broadcast_in_dim3A_44 : f32 to vector<256x4352xf32>
      %swap3A_46 = arith.constant 0 : index
      %swap3A_47 = arith.constant 0 : index
      %swap3A_48 = vector.load %arg4[%swap3A_46, %swap3A_47] : memref<256x4352xf32, #tpu.memory_space<vmem>>, vector<256x4352xf32>
      tpu.vector_store %arg4[%swap3A_46, %swap3A_47], %broadcast_in_dim3A_45 {strides = array<i32>} : memref<256x4352xf32, #tpu.memory_space<vmem>>, vector<256x4352xf32>,
    } else {
    }
    %get3A = arith.constant 0 : index
    %get3A_2 = arith.constant 0 : index
    %get3A_3 = vector.load %arg1[%get3A, %get3A_2] : memref<256x4352xf32, #tpu.memory_space<vmem>>, vector<256x4352xf32>
    %mul3A = arith.constant 4352 : i32
    %mul3A_4 = arith.muli %arg0, %mul3A : i32
    %iota3A = tpu.iota {dimensions = array<i32: 1>} : vector<256x4352xi32>
    %add3A = vector.broadcast %mul3A_4 : i32 to vector<256x4352xi32>
    %add3A_5 = arith.addi %add3A, %iota3A : vector<256x4352xi32>
    %get3A_6 = arith.constant 0 : index
    %get3A_7 = arith.constant 0 : index
    %get3A_8 = vector.load %arg4[%get3A_6, %get3A_7] : memref<256x4352xf32, #tpu.memory_space<vmem>>, vector<256x4352xf32>
    %lt3A = arith.constant 100000 : i32
    %lt3A_9 = vector.broadcast %lt3A : i32 to vector<256x4352xi32>
    %lt3A_10 = arith.cmpi slt, %add3A_5, %lt3A_9 : vector<256x4352xi32>
    %max3A = arith.constant 0.000000e+00 : f32
    %max3A_11 = vector.broadcast %max3A : f32 to vector<256x4352xf32>
    %max3A_12 = arith.maximumf %get3A_3, %max3A_11 : vector<256x4352xf32>
    %abs3A = math.absf %get3A_3 : vector<256x4352xf32>
    %neg3A = arith.constant 0.000000e+00 : f32
    %neg3A_13 = vector.broadcast %neg3A : f32 to vector<256x4352xf32>
    %neg3A_14 = arith.subf %neg3A_13, %abs3A : vector<256x4352xf32>
    %exp3A = math.exp %neg3A_14 : vector<256x4352xf32>
    %log1p3A = math.log1p %exp3A : vector<256x4352xf32>
    %add3A_15 = arith.addf %max3A_12, %log1p3A : vector<256x4352xf32>
    %jit3A = arith.constant 0.000000e+00 : f32
    %broadcast_in_dim3A = vector.broadcast %jit3A : f32 to vector<256x4352xf32>
    %select_n3A = arith.select %lt3A_10, %add3A_15, %broadcast_in_dim3A : vector<256x4352xi1>, vector<256x4352xf32>
    %add3A_16 = arith.addf %get3A_8, %select_n3A : vector<256x4352xf32>
    %swap3A = arith.constant 0 : index
    %swap3A_17 = arith.constant 0 : index
    %swap3A_18 = vector.load %arg4[%swap3A, %swap3A_17] : memref<256x4352xf32, #tpu.memory_space<vmem>>, vector<256x4352xf32>
    tpu.vector_store %arg4[%swap3A, %swap3A_17], %add3A_16 {strides = array<i32>} : memref<256x4352xf32, #tpu.memory_space<vmem>>, vector<256x4352xf32>,
    %transpose3A = tpu.transpose %get3A_3, [1, 0] : vector<256x4352xf32> -> vector<4352x256xf32>
    %slice3A = vector.extract_strided_slice %transpose3A {offsets = [0, 0], sizes = [2176, 256], strides = [1, 1]} : vector<4352x256xf32> to vector<2176x256xf32>
    %slice3A_19 = vector.extract_strided_slice %transpose3A {offsets = [2176, 0], sizes = [2176, 256], strides = [1, 1]} : vector<4352x256xf32> to vector<2176x256xf32>
    %slice3A_20 = vector.extract_strided_slice %slice3A {offsets = [0, 0], sizes = [2176, 64], strides = [1, 1]} : vector<2176x256xf32> to vector<2176x64xf32>
    %slice3A_21 = vector.extract_strided_slice %slice3A_19 {offsets = [0, 0], sizes = [2176, 64], strides = [1, 1]} : vector<2176x256xf32> to vector<2176x64xf32>
    %concatenate3A = tpu.concatenate %slice3A_20, %slice3A_21 in 1 : vector<2176x64xf32>, vector<2176x64xf32> -> vector<2176x128xf32>
    %slice3A_22 = vector.extract_strided_slice %slice3A {offsets = [0, 64], sizes = [2176, 64], strides = [1, 1]} : vector<2176x256xf32> to vector<2176x64xf32>
    %slice3A_23 = vector.extract_strided_slice %slice3A_19 {offsets = [0, 64], sizes = [2176, 64], strides = [1, 1]} : vector<2176x256xf32> to vector<2176x64xf32>
    %concatenate3A_24 = tpu.concatenate %slice3A_22, %slice3A_23 in 1 : vector<2176x64xf32>, vector<2176x64xf32> -> vector<2176x128xf32>
    %slice3A_25 = vector.extract_strided_slice %slice3A {offsets = [0, 128], sizes = [2176, 64], strides = [1, 1]} : vector<2176x256xf32> to vector<2176x64xf32>
    %slice3A_26 = vector.extract_strided_slice %slice3A_19 {offsets = [0, 128], sizes = [2176, 64], strides = [1, 1]} : vector<2176x256xf32> to vector<2176x64xf32>
    %concatenate3A_27 = tpu.concatenate %slice3A_25, %slice3A_26 in 1 : vector<2176x64xf32>, vector<2176x64xf32> -> vector<2176x128xf32>
    %slice3A_28 = vector.extract_strided_slice %slice3A {offsets = [0, 192], sizes = [2176, 64], strides = [1, 1]} : vector<2176x256xf32> to vector<2176x64xf32>
    %slice3A_29 = vector.extract_strided_slice %slice3A_19 {offsets = [0, 192], sizes = [2176, 64], strides = [1, 1]} : vector<2176x256xf32> to vector<2176x64xf32>
    %concatenate3A_30 = tpu.concatenate %slice3A_28, %slice3A_29 in 1 : vector<2176x64xf32>, vector<2176x64xf32> -> vector<2176x128xf32>
    %stack3A = vector.shape_cast %concatenate3A : vector<2176x128xf32> to vector<1x2176x128xf32>
    %stack3A_31 = vector.shape_cast %concatenate3A_24 : vector<2176x128xf32> to vector<1x2176x128xf32>
    %stack3A_32 = vector.shape_cast %concatenate3A_27 : vector<2176x128xf32> to vector<1x2176x128xf32>
    %stack3A_33 = vector.shape_cast %concatenate3A_30 : vector<2176x128xf32> to vector<1x2176x128xf32>
    %stack3A_34 = tpu.concatenate %stack3A, %stack3A_31, %stack3A_32, %stack3A_33 in 0 : vector<1x2176x128xf32>, vector<1x2176x128xf32>, vector<1x2176x128xf32>, vector<1x2176x128xf32> -> vector<4x2176x128xf32>
    %swap3A_35 = arith.constant 0 : index
    %swap3A_36 = arith.constant 0 : index
    %swap3A_37 = arith.constant 0 : index
    %swap3A_38 = vector.load %arg3[%swap3A_35, %swap3A_36, %swap3A_37] : memref<4x2176x128xf32, #tpu.memory_space<vmem>>, vector<4x2176x128xf32>
    tpu.vector_store %arg3[%swap3A_35, %swap3A_36, %swap3A_37], %stack3A_34 {strides = array<i32>} : memref<4x2176x128xf32, #tpu.memory_space<vmem>>, vector<4x2176x128xf32>,
    %eq3A_39 = arith.constant 22 : i32
    %eq3A_40 = arith.cmpi eq, %arg0, %eq3A_39 : i32
    %convert_element_type3A_41 = arith.extui %eq3A_40 : i1 to i32
    %cond3A_42 = arith.constant 0 : i32
    %cond3A_43 = arith.cmpi ne, %convert_element_type3A_41, %cond3A_42 : i32
    scf.if %cond3A_43 {
      %get3A_44 = arith.constant 0 : index
      %get3A_45 = arith.constant 0 : index
      %get3A_46 = vector.load %arg4[%get3A_44, %get3A_45] : memref<256x4352xf32, #tpu.memory_space<vmem>>, vector<256x4352xf32>
      %reduce_sum3A = arith.constant dense<0.000000e+00> : vector<256xf32>
      %reduce_sum3A_47 = vector.multi_reduction <add>, %get3A_46, %reduce_sum3A [1] : vector<256x4352xf32> to vector<256xf32>
      %reshape3A = vector.shape_cast %reduce_sum3A_47 : vector<256xf32> to vector<4x8x8xf32>
      %slice3A_48 = vector.extract_strided_slice %reshape3A {offsets = [0, 0, 0], sizes = [1, 8, 8], strides = [1, 1, 1]} : vector<4x8x8xf32> to vector<1x8x8xf32>
      %squeeze3A = vector.shape_cast %slice3A_48 : vector<1x8x8xf32> to vector<8x8xf32>
      %slice3A_49 = vector.extract_strided_slice %squeeze3A {offsets = [0, 0], sizes = [8, 1], strides = [1, 1]} : vector<8x8xf32> to vector<8x1xf32>
      %slice3A_50 = vector.extract_strided_slice %reshape3A {offsets = [1, 0, 0], sizes = [1, 8, 8], strides = [1, 1, 1]} : vector<4x8x8xf32> to vector<1x8x8xf32>
      %squeeze3A_51 = vector.shape_cast %slice3A_50 : vector<1x8x8xf32> to vector<8x8xf32>
      %slice3A_52 = vector.extract_strided_slice %squeeze3A_51 {offsets = [0, 0], sizes = [1, 8], strides = [1, 1]} : vector<8x8xf32> to vector<1x8xf32>
      %mul3A_53 = vector.broadcast %slice3A_49 : vector<8x1xf32> to vector<8x8xf32>
      %mul3A_54 = vector.broadcast %slice3A_52 : vector<1x8xf32> to vector<8x8xf32>
      %mul3A_55 = arith.mulf %mul3A_53, %mul3A_54 : vector<8x8xf32>
      %add3A_56 = arith.constant 0.000000e+00 : f32
      %add3A_57 = vector.broadcast %add3A_56 : f32 to vector<8x8xf32>
      %add3A_58 = arith.addf %add3A_57, %mul3A_55 : vector<8x8xf32>
      %slice3A_59 = vector.extract_strided_slice %squeeze3A {offsets = [0, 1], sizes = [8, 1], strides = [1, 1]} : vector<8x8xf32> to vector<8x1xf32>
      %slice3A_60 = vector.extract_strided_slice %reshape3A {offsets = [1, 0, 0], sizes = [1, 8, 8], strides = [1, 1, 1]} : vector<4x8x8xf32> to vector<1x8x8xf32>
      %squeeze3A_61 = vector.shape_cast %slice3A_60 : vector<1x8x8xf32> to vector<8x8xf32>
      %slice3A_62 = vector.extract_strided_slice %squeeze3A_61 {offsets = [1, 0], sizes = [1, 8], strides = [1, 1]} : vector<8x8xf32> to vector<1x8xf32>
      %mul3A_63 = vector.broadcast %slice3A_59 : vector<8x1xf32> to vector<8x8xf32>
      %mul3A_64 = vector.broadcast %slice3A_62 : vector<1x8xf32> to vector<8x8xf32>
      %mul3A_65 = arith.mulf %mul3A_63, %mul3A_64 : vector<8x8xf32>
      %add3A_66 = arith.addf %add3A_58, %mul3A_65 : vector<8x8xf32>
      %slice3A_67 = vector.extract_strided_slice %squeeze3A {offsets = [0, 2], sizes = [8, 1], strides = [1, 1]} : vector<8x8xf32> to vector<8x1xf32>
      %slice3A_68 = vector.extract_strided_slice %reshape3A {offsets = [1, 0, 0], sizes = [1, 8, 8], strides = [1, 1, 1]} : vector<4x8x8xf32> to vector<1x8x8xf32>
      %squeeze3A_69 = vector.shape_cast %slice3A_68 : vector<1x8x8xf32> to vector<8x8xf32>
      %slice3A_70 = vector.extract_strided_slice %squeeze3A_69 {offsets = [2, 0], sizes = [1, 8], strides = [1, 1]} : vector<8x8xf32> to vector<1x8xf32>
      %mul3A_71 = vector.broadcast %slice3A_67 : vector<8x1xf32> to vector<8x8xf32>
      %mul3A_72 = vector.broadcast %slice3A_70 : vector<1x8xf32> to vector<8x8xf32>
      %mul3A_73 = arith.mulf %mul3A_71, %mul3A_72 : vector<8x8xf32>
      %add3A_74 = arith.addf %add3A_66, %mul3A_73 : vector<8x8xf32>
      %slice3A_75 = vector.extract_strided_slice %squeeze3A {offsets = [0, 3], sizes = [8, 1], strides = [1, 1]} : vector<8x8xf32> to vector<8x1xf32>
      %slice3A_76 = vector.extract_strided_slice %reshape3A {offsets = [1, 0, 0], sizes = [1, 8, 8], strides = [1, 1, 1]} : vector<4x8x8xf32> to vector<1x8x8xf32>
      %squeeze3A_77 = vector.shape_cast %slice3A_76 : vector<1x8x8xf32> to vector<8x8xf32>
      %slice3A_78 = vector.extract_strided_slice %squeeze3A_77 {offsets = [3, 0], sizes = [1, 8], strides = [1, 1]} : vector<8x8xf32> to vector<1x8xf32>
      %mul3A_79 = vector.broadcast %slice3A_75 : vector<8x1xf32> to vector<8x8xf32>
      %mul3A_80 = vector.broadcast %slice3A_78 : vector<1x8xf32> to vector<8x8xf32>
      %mul3A_81 = arith.mulf %mul3A_79, %mul3A_80 : vector<8x8xf32>
      %add3A_82 = arith.addf %add3A_74, %mul3A_81 : vector<8x8xf32>
      %slice3A_83 = vector.extract_strided_slice %squeeze3A {offsets = [0, 4], sizes = [8, 1], strides = [1, 1]} : vector<8x8xf32> to vector<8x1xf32>
      %slice3A_84 = vector.extract_strided_slice %reshape3A {offsets = [1, 0, 0], sizes = [1, 8, 8], strides = [1, 1, 1]} : vector<4x8x8xf32> to vector<1x8x8xf32>
      %squeeze3A_85 = vector.shape_cast %slice3A_84 : vector<1x8x8xf32> to vector<8x8xf32>
      %slice3A_86 = vector.extract_strided_slice %squeeze3A_85 {offsets = [4, 0], sizes = [1, 8], strides = [1, 1]} : vector<8x8xf32> to vector<1x8xf32>
      %mul3A_87 = vector.broadcast %slice3A_83 : vector<8x1xf32> to vector<8x8xf32>
      %mul3A_88 = vector.broadcast %slice3A_86 : vector<1x8xf32> to vector<8x8xf32>
      %mul3A_89 = arith.mulf %mul3A_87, %mul3A_88 : vector<8x8xf32>
      %add3A_90 = arith.addf %add3A_82, %mul3A_89 : vector<8x8xf32>
      %slice3A_91 = vector.extract_strided_slice %squeeze3A {offsets = [0, 5], sizes = [8, 1], strides = [1, 1]} : vector<8x8xf32> to vector<8x1xf32>
      %slice3A_92 = vector.extract_strided_slice %reshape3A {offsets = [1, 0, 0], sizes = [1, 8, 8], strides = [1, 1, 1]} : vector<4x8x8xf32> to vector<1x8x8xf32>
      %squeeze3A_93 = vector.shape_cast %slice3A_92 : vector<1x8x8xf32> to vector<8x8xf32>
      %slice3A_94 = vector.extract_strided_slice %squeeze3A_93 {offsets = [5, 0], sizes = [1, 8], strides = [1, 1]} : vector<8x8xf32> to vector<1x8xf32>
      %mul3A_95 = vector.broadcast %slice3A_91 : vector<8x1xf32> to vector<8x8xf32>
      %mul3A_96 = vector.broadcast %slice3A_94 : vector<1x8xf32> to vector<8x8xf32>
      %mul3A_97 = arith.mulf %mul3A_95, %mul3A_96 : vector<8x8xf32>
      %add3A_98 = arith.addf %add3A_90, %mul3A_97 : vector<8x8xf32>
      %slice3A_99 = vector.extract_strided_slice %squeeze3A {offsets = [0, 6], sizes = [8, 1], strides = [1, 1]} : vector<8x8xf32> to vector<8x1xf32>
      %slice3A_100 = vector.extract_strided_slice %reshape3A {offsets = [1, 0, 0], sizes = [1, 8, 8], strides = [1, 1, 1]} : vector<4x8x8xf32> to vector<1x8x8xf32>
      %squeeze3A_101 = vector.shape_cast %slice3A_100 : vector<1x8x8xf32> to vector<8x8xf32>
      %slice3A_102 = vector.extract_strided_slice %squeeze3A_101 {offsets = [6, 0], sizes = [1, 8], strides = [1, 1]} : vector<8x8xf32> to vector<1x8xf32>
      %mul3A_103 = vector.broadcast %slice3A_99 : vector<8x1xf32> to vector<8x8xf32>
      %mul3A_104 = vector.broadcast %slice3A_102 : vector<1x8xf32> to vector<8x8xf32>
      %mul3A_105 = arith.mulf %mul3A_103, %mul3A_104 : vector<8x8xf32>
      %add3A_106 = arith.addf %add3A_98, %mul3A_105 : vector<8x8xf32>
      %slice3A_107 = vector.extract_strided_slice %squeeze3A {offsets = [0, 7], sizes = [8, 1], strides = [1, 1]} : vector<8x8xf32> to vector<8x1xf32>
      %slice3A_108 = vector.extract_strided_slice %reshape3A {offsets = [1, 0, 0], sizes = [1, 8, 8], strides = [1, 1, 1]} : vector<4x8x8xf32> to vector<1x8x8xf32>
      %squeeze3A_109 = vector.shape_cast %slice3A_108 : vector<1x8x8xf32> to vector<8x8xf32>
      %slice3A_110 = vector.extract_strided_slice %squeeze3A_109 {offsets = [7, 0], sizes = [1, 8], strides = [1, 1]} : vector<8x8xf32> to vector<1x8xf32>
      %mul3A_111 = vector.broadcast %slice3A_107 : vector<8x1xf32> to vector<8x8xf32>
      %mul3A_112 = vector.broadcast %slice3A_110 : vector<1x8xf32> to vector<8x8xf32>
      %mul3A_113 = arith.mulf %mul3A_111, %mul3A_112 : vector<8x8xf32>
      %add3A_114 = arith.addf %add3A_106, %mul3A_113 : vector<8x8xf32>
      %slice3A_115 = vector.extract_strided_slice %add3A_114 {offsets = [0, 0], sizes = [8, 1], strides = [1, 1]} : vector<8x8xf32> to vector<8x1xf32>
      %slice3A_116 = vector.extract_strided_slice %reshape3A {offsets = [2, 0, 0], sizes = [1, 8, 8], strides = [1, 1, 1]} : vector<4x8x8xf32> to vector<1x8x8xf32>
      %squeeze3A_117 = vector.shape_cast %slice3A_116 : vector<1x8x8xf32> to vector<8x8xf32>
      %slice3A_118 = vector.extract_strided_slice %squeeze3A_117 {offsets = [0, 0], sizes = [1, 8], strides = [1, 1]} : vector<8x8xf32> to vector<1x8xf32>
      %mul3A_119 = vector.broadcast %slice3A_115 : vector<8x1xf32> to vector<8x8xf32>
      %mul3A_120 = vector.broadcast %slice3A_118 : vector<1x8xf32> to vector<8x8xf32>
      %mul3A_121 = arith.mulf %mul3A_119, %mul3A_120 : vector<8x8xf32>
      %add3A_122 = arith.constant 0.000000e+00 : f32
      %add3A_123 = vector.broadcast %add3A_122 : f32 to vector<8x8xf32>
      %add3A_124 = arith.addf %add3A_123, %mul3A_121 : vector<8x8xf32>
      %slice3A_125 = vector.extract_strided_slice %add3A_114 {offsets = [0, 1], sizes = [8, 1], strides = [1, 1]} : vector<8x8xf32> to vector<8x1xf32>
      %slice3A_126 = vector.extract_strided_slice %reshape3A {offsets = [2, 0, 0], sizes = [1, 8, 8], strides = [1, 1, 1]} : vector<4x8x8xf32> to vector<1x8x8xf32>
      %squeeze3A_127 = vector.shape_cast %slice3A_126 : vector<1x8x8xf32> to vector<8x8xf32>
      %slice3A_128 = vector.extract_strided_slice %squeeze3A_127 {offsets = [1, 0], sizes = [1, 8], strides = [1, 1]} : vector<8x8xf32> to vector<1x8xf32>
      %mul3A_129 = vector.broadcast %slice3A_125 : vector<8x1xf32> to vector<8x8xf32>
      %mul3A_130 = vector.broadcast %slice3A_128 : vector<1x8xf32> to vector<8x8xf32>
      %mul3A_131 = arith.mulf %mul3A_129, %mul3A_130 : vector<8x8xf32>
      %add3A_132 = arith.addf %add3A_124, %mul3A_131 : vector<8x8xf32>
      %slice3A_133 = vector.extract_strided_slice %add3A_114 {offsets = [0, 2], sizes = [8, 1], strides = [1, 1]} : vector<8x8xf32> to vector<8x1xf32>
      %slice3A_134 = vector.extract_strided_slice %reshape3A {offsets = [2, 0, 0], sizes = [1, 8, 8], strides = [1, 1, 1]} : vector<4x8x8xf32> to vector<1x8x8xf32>
      %squeeze3A_135 = vector.shape_cast %slice3A_134 : vector<1x8x8xf32> to vector<8x8xf32>
      %slice3A_136 = vector.extract_strided_slice %squeeze3A_135 {offsets = [2, 0], sizes = [1, 8], strides = [1, 1]} : vector<8x8xf32> to vector<1x8xf32>
      %mul3A_137 = vector.broadcast %slice3A_133 : vector<8x1xf32> to vector<8x8xf32>
      %mul3A_138 = vector.broadcast %slice3A_136 : vector<1x8xf32> to vector<8x8xf32>
      %mul3A_139 = arith.mulf %mul3A_137, %mul3A_138 : vector<8x8xf32>
      %add3A_140 = arith.addf %add3A_132, %mul3A_139 : vector<8x8xf32>
      %slice3A_141 = vector.extract_strided_slice %add3A_114 {offsets = [0, 3], sizes = [8, 1], strides = [1, 1]} : vector<8x8xf32> to vector<8x1xf32>
      %slice3A_142 = vector.extract_strided_slice %reshape3A {offsets = [2, 0, 0], sizes = [1, 8, 8], strides = [1, 1, 1]} : vector<4x8x8xf32> to vector<1x8x8xf32>
      %squeeze3A_143 = vector.shape_cast %slice3A_142 : vector<1x8x8xf32> to vector<8x8xf32>
      %slice3A_144 = vector.extract_strided_slice %squeeze3A_143 {offsets = [3, 0], sizes = [1, 8], strides = [1, 1]} : vector<8x8xf32> to vector<1x8xf32>
      %mul3A_145 = vector.broadcast %slice3A_141 : vector<8x1xf32> to vector<8x8xf32>
      %mul3A_146 = vector.broadcast %slice3A_144 : vector<1x8xf32> to vector<8x8xf32>
      %mul3A_147 = arith.mulf %mul3A_145, %mul3A_146 : vector<8x8xf32>
      %add3A_148 = arith.addf %add3A_140, %mul3A_147 : vector<8x8xf32>
      %slice3A_149 = vector.extract_strided_slice %add3A_114 {offsets = [0, 4], sizes = [8, 1], strides = [1, 1]} : vector<8x8xf32> to vector<8x1xf32>
      %slice3A_150 = vector.extract_strided_slice %reshape3A {offsets = [2, 0, 0], sizes = [1, 8, 8], strides = [1, 1, 1]} : vector<4x8x8xf32> to vector<1x8x8xf32>
      %squeeze3A_151 = vector.shape_cast %slice3A_150 : vector<1x8x8xf32> to vector<8x8xf32>
      %slice3A_152 = vector.extract_strided_slice %squeeze3A_151 {offsets = [4, 0], sizes = [1, 8], strides = [1, 1]} : vector<8x8xf32> to vector<1x8xf32>
      %mul3A_153 = vector.broadcast %slice3A_149 : vector<8x1xf32> to vector<8x8xf32>
      %mul3A_154 = vector.broadcast %slice3A_152 : vector<1x8xf32> to vector<8x8xf32>
      %mul3A_155 = arith.mulf %mul3A_153, %mul3A_154 : vector<8x8xf32>
      %add3A_156 = arith.addf %add3A_148, %mul3A_155 : vector<8x8xf32>
      %slice3A_157 = vector.extract_strided_slice %add3A_114 {offsets = [0, 5], sizes = [8, 1], strides = [1, 1]} : vector<8x8xf32> to vector<8x1xf32>
      %slice3A_158 = vector.extract_strided_slice %reshape3A {offsets = [2, 0, 0], sizes = [1, 8, 8], strides = [1, 1, 1]} : vector<4x8x8xf32> to vector<1x8x8xf32>
      %squeeze3A_159 = vector.shape_cast %slice3A_158 : vector<1x8x8xf32> to vector<8x8xf32>
      %slice3A_160 = vector.extract_strided_slice %squeeze3A_159 {offsets = [5, 0], sizes = [1, 8], strides = [1, 1]} : vector<8x8xf32> to vector<1x8xf32>
      %mul3A_161 = vector.broadcast %slice3A_157 : vector<8x1xf32> to vector<8x8xf32>
      %mul3A_162 = vector.broadcast %slice3A_160 : vector<1x8xf32> to vector<8x8xf32>
      %mul3A_163 = arith.mulf %mul3A_161, %mul3A_162 : vector<8x8xf32>
      %add3A_164 = arith.addf %add3A_156, %mul3A_163 : vector<8x8xf32>
      %slice3A_165 = vector.extract_strided_slice %add3A_114 {offsets = [0, 6], sizes = [8, 1], strides = [1, 1]} : vector<8x8xf32> to vector<8x1xf32>
      %slice3A_166 = vector.extract_strided_slice %reshape3A {offsets = [2, 0, 0], sizes = [1, 8, 8], strides = [1, 1, 1]} : vector<4x8x8xf32> to vector<1x8x8xf32>
      %squeeze3A_167 = vector.shape_cast %slice3A_166 : vector<1x8x8xf32> to vector<8x8xf32>
      %slice3A_168 = vector.extract_strided_slice %squeeze3A_167 {offsets = [6, 0], sizes = [1, 8], strides = [1, 1]} : vector<8x8xf32> to vector<1x8xf32>
      %mul3A_169 = vector.broadcast %slice3A_165 : vector<8x1xf32> to vector<8x8xf32>
      %mul3A_170 = vector.broadcast %slice3A_168 : vector<1x8xf32> to vector<8x8xf32>
      %mul3A_171 = arith.mulf %mul3A_169, %mul3A_170 : vector<8x8xf32>
      %add3A_172 = arith.addf %add3A_164, %mul3A_171 : vector<8x8xf32>
      %slice3A_173 = vector.extract_strided_slice %add3A_114 {offsets = [0, 7], sizes = [8, 1], strides = [1, 1]} : vector<8x8xf32> to vector<8x1xf32>
      %slice3A_174 = vector.extract_strided_slice %reshape3A {offsets = [2, 0, 0], sizes = [1, 8, 8], strides = [1, 1, 1]} : vector<4x8x8xf32> to vector<1x8x8xf32>
      %squeeze3A_175 = vector.shape_cast %slice3A_174 : vector<1x8x8xf32> to vector<8x8xf32>
      %slice3A_176 = vector.extract_strided_slice %squeeze3A_175 {offsets = [7, 0], sizes = [1, 8], strides = [1, 1]} : vector<8x8xf32> to vector<1x8xf32>
      %mul3A_177 = vector.broadcast %slice3A_173 : vector<8x1xf32> to vector<8x8xf32>
      %mul3A_178 = vector.broadcast %slice3A_176 : vector<1x8xf32> to vector<8x8xf32>
      %mul3A_179 = arith.mulf %mul3A_177, %mul3A_178 : vector<8x8xf32>
      %add3A_180 = arith.addf %add3A_172, %mul3A_179 : vector<8x8xf32>
      %slice3A_181 = vector.extract_strided_slice %add3A_180 {offsets = [0, 0], sizes = [8, 1], strides = [1, 1]} : vector<8x8xf32> to vector<8x1xf32>
      %slice3A_182 = vector.extract_strided_slice %reshape3A {offsets = [3, 0, 0], sizes = [1, 8, 8], strides = [1, 1, 1]} : vector<4x8x8xf32> to vector<1x8x8xf32>
      %squeeze3A_183 = vector.shape_cast %slice3A_182 : vector<1x8x8xf32> to vector<8x8xf32>
      %slice3A_184 = vector.extract_strided_slice %squeeze3A_183 {offsets = [0, 0], sizes = [1, 8], strides = [1, 1]} : vector<8x8xf32> to vector<1x8xf32>
      %mul3A_185 = vector.broadcast %slice3A_181 : vector<8x1xf32> to vector<8x8xf32>
      %mul3A_186 = vector.broadcast %slice3A_184 : vector<1x8xf32> to vector<8x8xf32>
      %mul3A_187 = arith.mulf %mul3A_185, %mul3A_186 : vector<8x8xf32>
      %add3A_188 = arith.constant 0.000000e+00 : f32
      %add3A_189 = vector.broadcast %add3A_188 : f32 to vector<8x8xf32>
      %add3A_190 = arith.addf %add3A_189, %mul3A_187 : vector<8x8xf32>
      %slice3A_191 = vector.extract_strided_slice %add3A_180 {offsets = [0, 1], sizes = [8, 1], strides = [1, 1]} : vector<8x8xf32> to vector<8x1xf32>
      %slice3A_192 = vector.extract_strided_slice %reshape3A {offsets = [3, 0, 0], sizes = [1, 8, 8], strides = [1, 1, 1]} : vector<4x8x8xf32> to vector<1x8x8xf32>
      %squeeze3A_193 = vector.shape_cast %slice3A_192 : vector<1x8x8xf32> to vector<8x8xf32>
      %slice3A_194 = vector.extract_strided_slice %squeeze3A_193 {offsets = [1, 0], sizes = [1, 8], strides = [1, 1]} : vector<8x8xf32> to vector<1x8xf32>
      %mul3A_195 = vector.broadcast %slice3A_191 : vector<8x1xf32> to vector<8x8xf32>
      %mul3A_196 = vector.broadcast %slice3A_194 : vector<1x8xf32> to vector<8x8xf32>
      %mul3A_197 = arith.mulf %mul3A_195, %mul3A_196 : vector<8x8xf32>
      %add3A_198 = arith.addf %add3A_190, %mul3A_197 : vector<8x8xf32>
      %slice3A_199 = vector.extract_strided_slice %add3A_180 {offsets = [0, 2], sizes = [8, 1], strides = [1, 1]} : vector<8x8xf32> to vector<8x1xf32>
      %slice3A_200 = vector.extract_strided_slice %reshape3A {offsets = [3, 0, 0], sizes = [1, 8, 8], strides = [1, 1, 1]} : vector<4x8x8xf32> to vector<1x8x8xf32>
      %squeeze3A_201 = vector.shape_cast %slice3A_200 : vector<1x8x8xf32> to vector<8x8xf32>
      %slice3A_202 = vector.extract_strided_slice %squeeze3A_201 {offsets = [2, 0], sizes = [1, 8], strides = [1, 1]} : vector<8x8xf32> to vector<1x8xf32>
      %mul3A_203 = vector.broadcast %slice3A_199 : vector<8x1xf32> to vector<8x8xf32>
      %mul3A_204 = vector.broadcast %slice3A_202 : vector<1x8xf32> to vector<8x8xf32>
      %mul3A_205 = arith.mulf %mul3A_203, %mul3A_204 : vector<8x8xf32>
      %add3A_206 = arith.addf %add3A_198, %mul3A_205 : vector<8x8xf32>
      %slice3A_207 = vector.extract_strided_slice %add3A_180 {offsets = [0, 3], sizes = [8, 1], strides = [1, 1]} : vector<8x8xf32> to vector<8x1xf32>
      %slice3A_208 = vector.extract_strided_slice %reshape3A {offsets = [3, 0, 0], sizes = [1, 8, 8], strides = [1, 1, 1]} : vector<4x8x8xf32> to vector<1x8x8xf32>
      %squeeze3A_209 = vector.shape_cast %slice3A_208 : vector<1x8x8xf32> to vector<8x8xf32>
      %slice3A_210 = vector.extract_strided_slice %squeeze3A_209 {offsets = [3, 0], sizes = [1, 8], strides = [1, 1]} : vector<8x8xf32> to vector<1x8xf32>
      %mul3A_211 = vector.broadcast %slice3A_207 : vector<8x1xf32> to vector<8x8xf32>
      %mul3A_212 = vector.broadcast %slice3A_210 : vector<1x8xf32> to vector<8x8xf32>
      %mul3A_213 = arith.mulf %mul3A_211, %mul3A_212 : vector<8x8xf32>
      %add3A_214 = arith.addf %add3A_206, %mul3A_213 : vector<8x8xf32>
      %slice3A_215 = vector.extract_strided_slice %add3A_180 {offsets = [0, 4], sizes = [8, 1], strides = [1, 1]} : vector<8x8xf32> to vector<8x1xf32>
      %slice3A_216 = vector.extract_strided_slice %reshape3A {offsets = [3, 0, 0], sizes = [1, 8, 8], strides = [1, 1, 1]} : vector<4x8x8xf32> to vector<1x8x8xf32>
      %squeeze3A_217 = vector.shape_cast %slice3A_216 : vector<1x8x8xf32> to vector<8x8xf32>
      %slice3A_218 = vector.extract_strided_slice %squeeze3A_217 {offsets = [4, 0], sizes = [1, 8], strides = [1, 1]} : vector<8x8xf32> to vector<1x8xf32>
      %mul3A_219 = vector.broadcast %slice3A_215 : vector<8x1xf32> to vector<8x8xf32>
      %mul3A_220 = vector.broadcast %slice3A_218 : vector<1x8xf32> to vector<8x8xf32>
      %mul3A_221 = arith.mulf %mul3A_219, %mul3A_220 : vector<8x8xf32>
      %add3A_222 = arith.addf %add3A_214, %mul3A_221 : vector<8x8xf32>
      %slice3A_223 = vector.extract_strided_slice %add3A_180 {offsets = [0, 5], sizes = [8, 1], strides = [1, 1]} : vector<8x8xf32> to vector<8x1xf32>
      %slice3A_224 = vector.extract_strided_slice %reshape3A {offsets = [3, 0, 0], sizes = [1, 8, 8], strides = [1, 1, 1]} : vector<4x8x8xf32> to vector<1x8x8xf32>
      %squeeze3A_225 = vector.shape_cast %slice3A_224 : vector<1x8x8xf32> to vector<8x8xf32>
      %slice3A_226 = vector.extract_strided_slice %squeeze3A_225 {offsets = [5, 0], sizes = [1, 8], strides = [1, 1]} : vector<8x8xf32> to vector<1x8xf32>
      %mul3A_227 = vector.broadcast %slice3A_223 : vector<8x1xf32> to vector<8x8xf32>
      %mul3A_228 = vector.broadcast %slice3A_226 : vector<1x8xf32> to vector<8x8xf32>
      %mul3A_229 = arith.mulf %mul3A_227, %mul3A_228 : vector<8x8xf32>
      %add3A_230 = arith.addf %add3A_222, %mul3A_229 : vector<8x8xf32>
      %slice3A_231 = vector.extract_strided_slice %add3A_180 {offsets = [0, 6], sizes = [8, 1], strides = [1, 1]} : vector<8x8xf32> to vector<8x1xf32>
      %slice3A_232 = vector.extract_strided_slice %reshape3A {offsets = [3, 0, 0], sizes = [1, 8, 8], strides = [1, 1, 1]} : vector<4x8x8xf32> to vector<1x8x8xf32>
      %squeeze3A_233 = vector.shape_cast %slice3A_232 : vector<1x8x8xf32> to vector<8x8xf32>
      %slice3A_234 = vector.extract_strided_slice %squeeze3A_233 {offsets = [6, 0], sizes = [1, 8], strides = [1, 1]} : vector<8x8xf32> to vector<1x8xf32>
      %mul3A_235 = vector.broadcast %slice3A_231 : vector<8x1xf32> to vector<8x8xf32>
      %mul3A_236 = vector.broadcast %slice3A_234 : vector<1x8xf32> to vector<8x8xf32>
      %mul3A_237 = arith.mulf %mul3A_235, %mul3A_236 : vector<8x8xf32>
      %add3A_238 = arith.addf %add3A_230, %mul3A_237 : vector<8x8xf32>
      %slice3A_239 = vector.extract_strided_slice %add3A_180 {offsets = [0, 7], sizes = [8, 1], strides = [1, 1]} : vector<8x8xf32> to vector<8x1xf32>
      %slice3A_240 = vector.extract_strided_slice %reshape3A {offsets = [3, 0, 0], sizes = [1, 8, 8], strides = [1, 1, 1]} : vector<4x8x8xf32> to vector<1x8x8xf32>
      %squeeze3A_241 = vector.shape_cast %slice3A_240 : vector<1x8x8xf32> to vector<8x8xf32>
      %slice3A_242 = vector.extract_strided_slice %squeeze3A_241 {offsets = [7, 0], sizes = [1, 8], strides = [1, 1]} : vector<8x8xf32> to vector<1x8xf32>
      %mul3A_243 = vector.broadcast %slice3A_239 : vector<8x1xf32> to vector<8x8xf32>
      %mul3A_244 = vector.broadcast %slice3A_242 : vector<1x8xf32> to vector<8x8xf32>
      %mul3A_245 = arith.mulf %mul3A_243, %mul3A_244 : vector<8x8xf32>
      %add3A_246 = arith.addf %add3A_238, %mul3A_245 : vector<8x8xf32>
      %iota3A_247 = tpu.iota {dimensions = array<i32: 0>} : vector<8x8xi32>
      %iota3A_248 = tpu.iota {dimensions = array<i32: 1>} : vector<8x8xi32>
      %eq3A_249 = arith.cmpi eq, %iota3A_247, %iota3A_248 : vector<8x8xi32>
      %jit3A_250 = arith.constant 0.000000e+00 : f32
      %broadcast_in_dim3A_251 = vector.broadcast %jit3A_250 : f32 to vector<8x8xf32>
      %select_n3A_252 = arith.select %eq3A_249, %add3A_246, %broadcast_in_dim3A_251 : vector<8x8xi1>, vector<8x8xf32>
      %reduce_sum3A_253 = vector.shape_cast %select_n3A_252 : vector<8x8xf32> to vector<1x8x8xf32>
      %reduce_sum3A_254 = arith.constant dense<0.000000e+00> : vector<1xf32>
      %reduce_sum3A_255 = vector.multi_reduction <add>, %reduce_sum3A_253, %reduce_sum3A_254 [1, 2] : vector<1x8x8xf32> to vector<1xf32>
      %reduce_sum3A_256 = vector.shape_cast %reduce_sum3A_255 : vector<1xf32> to vector<1x1x1xf32>
      %reduce_sum3A_257 = vector.extract %reduce_sum3A_256[0, 0, 0] : f32 from vector<1x1x1xf32>
      %log3A = math.log %reduce_sum3A_257 : f32
      %swap3A_258 = arith.constant 0 : index
      %swap3A_259 = arith.constant 0 : index
      %swap3A_260 = memref.load %arg2[%swap3A_258, %swap3A_259] : memref<1x1xf32, #tpu.memory_space<smem>>
      memref.store %log3A, %arg2[%swap3A_258, %swap3A_259] : memref<1x1xf32, #tpu.memory_space<smem>>
    } else {
    }
    return
  }
  func.func @transform_0(%arg0: i32) -> (i32, i32) {
    %c0_i32 = arith.constant 0 : i32
    %c0_i32_0 = arith.constant 0 : i32
    return %c0_i32, %arg0 : i32, i32
  }
  func.func @transform_1(%arg0: i32) -> (i32, i32) {
    %c0_i32 = arith.constant 0 : i32
    %c0_i32_0 = arith.constant 0 : i32
    %c0_i32_1 = arith.constant 0 : i32
    return %c0_i32, %c0_i32_0 : i32, i32
  }
  func.func @transform_2(%arg0: i32) -> (i32, i32, i32) {
    %c0_i32 = arith.constant 0 : i32
    %c0_i32_0 = arith.constant 0 : i32
    %c0_i32_1 = arith.constant 0 : i32
    return %c0_i32, %arg0, %c0_i32_0 : i32, i32, i32
  }
}

module attributes {stable_mosaic.version = 14 : i64} {
  func.func @body(%arg0: i32, %arg1: memref<4x2048x128xf32, #tpu.memory_space<vmem>>, %arg2: memref<4x2048xi32, #tpu.memory_space<vmem>>, %arg3: memref<1x1xf32, #tpu.memory_space<smem>>, %arg4: memref<1x2048xf32, #tpu.memory_space<vmem>>) attributes {dimension_semantics = [#tpu.dimension_semantics<arbitrary>], iteration_bounds = array<i64: 8>, scalar_prefetch = 0 : i64, scratch_operands = 0 : i64, tpu.core_type = #tpu.core_type<tc>, window_params = [{transform_indices = @transform_0, window_bounds = array<i64: 4, 2048, 128>}, {transform_indices = @transform_1, window_bounds = array<i64: 4, 2048>}, {transform_indices = @transform_2, window_bounds = array<i64: 1, 1>}, {transform_indices = @transform_3, window_bounds = array<i64: 1, 2048>}]} {
    %get3A = arith.constant 0 : index
    %get3A_0 = arith.constant 0 : index
    %get3A_1 = arith.constant 0 : index
    %get3A_2 = vector.load %arg1[%get3A, %get3A_0, %get3A_1] : memref<4x2048x128xf32, #tpu.memory_space<vmem>>, vector<4x2048x128xf32>
    %slice3A = vector.extract_strided_slice %get3A_2 {offsets = [0, 0, 0], sizes = [1, 2048, 128], strides = [1, 1, 1]} : vector<4x2048x128xf32> to vector<1x2048x128xf32>
    %squeeze3A = vector.shape_cast %slice3A : vector<1x2048x128xf32> to vector<2048x128xf32>
    %transpose3A = tpu.transpose %squeeze3A, [1, 0] : vector<2048x128xf32> -> vector<128x2048xf32>
    %get3A_3 = arith.constant 0 : index
    %get3A_4 = arith.constant 0 : index
    %get3A_5 = vector.load %arg2[%get3A_3, %get3A_4] : memref<4x2048xi32, #tpu.memory_space<vmem>>, vector<1x2048xi32>
    %eq3A = arith.constant 1 : i32
    %eq3A_6 = vector.broadcast %eq3A : i32 to vector<1x2048xi32>
    %eq3A_7 = arith.cmpi eq, %get3A_5, %eq3A_6 : vector<1x2048xi32>
    %slice3A_8 = vector.extract_strided_slice %transpose3A {offsets = [64, 0], sizes = [64, 2048], strides = [1, 1]} : vector<128x2048xf32> to vector<64x2048xf32>
    %slice3A_9 = vector.extract_strided_slice %transpose3A {offsets = [0, 0], sizes = [64, 2048], strides = [1, 1]} : vector<128x2048xf32> to vector<64x2048xf32>
    %broadcast_in_dim3A = vector.shape_cast %eq3A_7 : vector<1x2048xi1> to vector<1x2048xi1>
    %broadcast_in_dim3A_10 = vector.broadcast %broadcast_in_dim3A : vector<1x2048xi1> to vector<64x2048xi1>
    %select_n3A = arith.select %broadcast_in_dim3A_10, %slice3A_8, %slice3A_9 : vector<64x2048xi1>, vector<64x2048xf32>
    %max3A = arith.constant 0.000000e+00 : f32
    %max3A_11 = vector.broadcast %max3A : f32 to vector<64x2048xf32>
    %max3A_12 = arith.maximumf %select_n3A, %max3A_11 : vector<64x2048xf32>
    %abs3A = math.absf %select_n3A : vector<64x2048xf32>
    %neg3A = arith.constant 0.000000e+00 : f32
    %neg3A_13 = vector.broadcast %neg3A : f32 to vector<64x2048xf32>
    %neg3A_14 = arith.subf %neg3A_13, %abs3A : vector<64x2048xf32>
    %exp3A = math.exp %neg3A_14 : vector<64x2048xf32>
    %log1p3A = math.log1p %exp3A : vector<64x2048xf32>
    %add3A = arith.addf %max3A_12, %log1p3A : vector<64x2048xf32>
    %reshape3A = vector.shape_cast %add3A : vector<64x2048xf32> to vector<8x8x2048xf32>
    %slice3A_15 = vector.extract_strided_slice %get3A_2 {offsets = [1, 0, 0], sizes = [1, 2048, 128], strides = [1, 1, 1]} : vector<4x2048x128xf32> to vector<1x2048x128xf32>
    %squeeze3A_16 = vector.shape_cast %slice3A_15 : vector<1x2048x128xf32> to vector<2048x128xf32>
    %transpose3A_17 = tpu.transpose %squeeze3A_16, [1, 0] : vector<2048x128xf32> -> vector<128x2048xf32>
    %get3A_18 = arith.constant 1 : index
    %get3A_19 = arith.constant 0 : index
    %get3A_20 = vector.load %arg2[%get3A_18, %get3A_19] : memref<4x2048xi32, #tpu.memory_space<vmem>>, vector<1x2048xi32>
    %eq3A_21 = arith.constant 1 : i32
    %eq3A_22 = vector.broadcast %eq3A_21 : i32 to vector<1x2048xi32>
    %eq3A_23 = arith.cmpi eq, %get3A_20, %eq3A_22 : vector<1x2048xi32>
    %slice3A_24 = vector.extract_strided_slice %transpose3A_17 {offsets = [64, 0], sizes = [64, 2048], strides = [1, 1]} : vector<128x2048xf32> to vector<64x2048xf32>
    %slice3A_25 = vector.extract_strided_slice %transpose3A_17 {offsets = [0, 0], sizes = [64, 2048], strides = [1, 1]} : vector<128x2048xf32> to vector<64x2048xf32>
    %broadcast_in_dim3A_26 = vector.shape_cast %eq3A_23 : vector<1x2048xi1> to vector<1x2048xi1>
    %broadcast_in_dim3A_27 = vector.broadcast %broadcast_in_dim3A_26 : vector<1x2048xi1> to vector<64x2048xi1>
    %select_n3A_28 = arith.select %broadcast_in_dim3A_27, %slice3A_24, %slice3A_25 : vector<64x2048xi1>, vector<64x2048xf32>
    %max3A_29 = arith.constant 0.000000e+00 : f32
    %max3A_30 = vector.broadcast %max3A_29 : f32 to vector<64x2048xf32>
    %max3A_31 = arith.maximumf %select_n3A_28, %max3A_30 : vector<64x2048xf32>
    %abs3A_32 = math.absf %select_n3A_28 : vector<64x2048xf32>
    %neg3A_33 = arith.constant 0.000000e+00 : f32
    %neg3A_34 = vector.broadcast %neg3A_33 : f32 to vector<64x2048xf32>
    %neg3A_35 = arith.subf %neg3A_34, %abs3A_32 : vector<64x2048xf32>
    %exp3A_36 = math.exp %neg3A_35 : vector<64x2048xf32>
    %log1p3A_37 = math.log1p %exp3A_36 : vector<64x2048xf32>
    %add3A_38 = arith.addf %max3A_31, %log1p3A_37 : vector<64x2048xf32>
    %reshape3A_39 = vector.shape_cast %add3A_38 : vector<64x2048xf32> to vector<8x8x2048xf32>
    %slice3A_40 = vector.extract_strided_slice %get3A_2 {offsets = [2, 0, 0], sizes = [1, 2048, 128], strides = [1, 1, 1]} : vector<4x2048x128xf32> to vector<1x2048x128xf32>
    %squeeze3A_41 = vector.shape_cast %slice3A_40 : vector<1x2048x128xf32> to vector<2048x128xf32>
    %transpose3A_42 = tpu.transpose %squeeze3A_41, [1, 0] : vector<2048x128xf32> -> vector<128x2048xf32>
    %get3A_43 = arith.constant 2 : index
    %get3A_44 = arith.constant 0 : index
    %get3A_45 = vector.load %arg2[%get3A_43, %get3A_44] : memref<4x2048xi32, #tpu.memory_space<vmem>>, vector<1x2048xi32>
    %eq3A_46 = arith.constant 1 : i32
    %eq3A_47 = vector.broadcast %eq3A_46 : i32 to vector<1x2048xi32>
    %eq3A_48 = arith.cmpi eq, %get3A_45, %eq3A_47 : vector<1x2048xi32>
    %slice3A_49 = vector.extract_strided_slice %transpose3A_42 {offsets = [64, 0], sizes = [64, 2048], strides = [1, 1]} : vector<128x2048xf32> to vector<64x2048xf32>
    %slice3A_50 = vector.extract_strided_slice %transpose3A_42 {offsets = [0, 0], sizes = [64, 2048], strides = [1, 1]} : vector<128x2048xf32> to vector<64x2048xf32>
    %broadcast_in_dim3A_51 = vector.shape_cast %eq3A_48 : vector<1x2048xi1> to vector<1x2048xi1>
    %broadcast_in_dim3A_52 = vector.broadcast %broadcast_in_dim3A_51 : vector<1x2048xi1> to vector<64x2048xi1>
    %select_n3A_53 = arith.select %broadcast_in_dim3A_52, %slice3A_49, %slice3A_50 : vector<64x2048xi1>, vector<64x2048xf32>
    %max3A_54 = arith.constant 0.000000e+00 : f32
    %max3A_55 = vector.broadcast %max3A_54 : f32 to vector<64x2048xf32>
    %max3A_56 = arith.maximumf %select_n3A_53, %max3A_55 : vector<64x2048xf32>
    %abs3A_57 = math.absf %select_n3A_53 : vector<64x2048xf32>
    %neg3A_58 = arith.constant 0.000000e+00 : f32
    %neg3A_59 = vector.broadcast %neg3A_58 : f32 to vector<64x2048xf32>
    %neg3A_60 = arith.subf %neg3A_59, %abs3A_57 : vector<64x2048xf32>
    %exp3A_61 = math.exp %neg3A_60 : vector<64x2048xf32>
    %log1p3A_62 = math.log1p %exp3A_61 : vector<64x2048xf32>
    %add3A_63 = arith.addf %max3A_56, %log1p3A_62 : vector<64x2048xf32>
    %reshape3A_64 = vector.shape_cast %add3A_63 : vector<64x2048xf32> to vector<8x8x2048xf32>
    %slice3A_65 = vector.extract_strided_slice %get3A_2 {offsets = [3, 0, 0], sizes = [1, 2048, 128], strides = [1, 1, 1]} : vector<4x2048x128xf32> to vector<1x2048x128xf32>
    %squeeze3A_66 = vector.shape_cast %slice3A_65 : vector<1x2048x128xf32> to vector<2048x128xf32>
    %transpose3A_67 = tpu.transpose %squeeze3A_66, [1, 0] : vector<2048x128xf32> -> vector<128x2048xf32>
    %get3A_68 = arith.constant 3 : index
    %get3A_69 = arith.constant 0 : index
    %get3A_70 = vector.load %arg2[%get3A_68, %get3A_69] : memref<4x2048xi32, #tpu.memory_space<vmem>>, vector<1x2048xi32>
    %eq3A_71 = arith.constant 1 : i32
    %eq3A_72 = vector.broadcast %eq3A_71 : i32 to vector<1x2048xi32>
    %eq3A_73 = arith.cmpi eq, %get3A_70, %eq3A_72 : vector<1x2048xi32>
    %slice3A_74 = vector.extract_strided_slice %transpose3A_67 {offsets = [64, 0], sizes = [64, 2048], strides = [1, 1]} : vector<128x2048xf32> to vector<64x2048xf32>
    %slice3A_75 = vector.extract_strided_slice %transpose3A_67 {offsets = [0, 0], sizes = [64, 2048], strides = [1, 1]} : vector<128x2048xf32> to vector<64x2048xf32>
    %broadcast_in_dim3A_76 = vector.shape_cast %eq3A_73 : vector<1x2048xi1> to vector<1x2048xi1>
    %broadcast_in_dim3A_77 = vector.broadcast %broadcast_in_dim3A_76 : vector<1x2048xi1> to vector<64x2048xi1>
    %select_n3A_78 = arith.select %broadcast_in_dim3A_77, %slice3A_74, %slice3A_75 : vector<64x2048xi1>, vector<64x2048xf32>
    %max3A_79 = arith.constant 0.000000e+00 : f32
    %max3A_80 = vector.broadcast %max3A_79 : f32 to vector<64x2048xf32>
    %max3A_81 = arith.maximumf %select_n3A_78, %max3A_80 : vector<64x2048xf32>
    %abs3A_82 = math.absf %select_n3A_78 : vector<64x2048xf32>
    %neg3A_83 = arith.constant 0.000000e+00 : f32
    %neg3A_84 = vector.broadcast %neg3A_83 : f32 to vector<64x2048xf32>
    %neg3A_85 = arith.subf %neg3A_84, %abs3A_82 : vector<64x2048xf32>
    %exp3A_86 = math.exp %neg3A_85 : vector<64x2048xf32>
    %log1p3A_87 = math.log1p %exp3A_86 : vector<64x2048xf32>
    %add3A_88 = arith.addf %max3A_81, %log1p3A_87 : vector<64x2048xf32>
    %reshape3A_89 = vector.shape_cast %add3A_88 : vector<64x2048xf32> to vector<8x8x2048xf32>
    %slice3A_90 = vector.extract_strided_slice %reshape3A {offsets = [0, 0, 0], sizes = [8, 1, 2048], strides = [1, 1, 1]} : vector<8x8x2048xf32> to vector<8x1x2048xf32>
    %slice3A_91 = vector.extract_strided_slice %reshape3A_39 {offsets = [0, 0, 0], sizes = [1, 8, 2048], strides = [1, 1, 1]} : vector<8x8x2048xf32> to vector<1x8x2048xf32>
    %mul3A = vector.broadcast %slice3A_90 : vector<8x1x2048xf32> to vector<8x8x2048xf32>
    %mul3A_92 = vector.broadcast %slice3A_91 : vector<1x8x2048xf32> to vector<8x8x2048xf32>
    %mul3A_93 = arith.mulf %mul3A, %mul3A_92 : vector<8x8x2048xf32>
    %add3A_94 = arith.constant 0.000000e+00 : f32
    %add3A_95 = vector.broadcast %add3A_94 : f32 to vector<8x8x2048xf32>
    %add3A_96 = arith.addf %add3A_95, %mul3A_93 : vector<8x8x2048xf32>
    %slice3A_97 = vector.extract_strided_slice %reshape3A {offsets = [0, 1, 0], sizes = [8, 1, 2048], strides = [1, 1, 1]} : vector<8x8x2048xf32> to vector<8x1x2048xf32>
    %slice3A_98 = vector.extract_strided_slice %reshape3A_39 {offsets = [1, 0, 0], sizes = [1, 8, 2048], strides = [1, 1, 1]} : vector<8x8x2048xf32> to vector<1x8x2048xf32>
    %mul3A_99 = vector.broadcast %slice3A_97 : vector<8x1x2048xf32> to vector<8x8x2048xf32>
    %mul3A_100 = vector.broadcast %slice3A_98 : vector<1x8x2048xf32> to vector<8x8x2048xf32>
    %mul3A_101 = arith.mulf %mul3A_99, %mul3A_100 : vector<8x8x2048xf32>
    %add3A_102 = arith.addf %add3A_96, %mul3A_101 : vector<8x8x2048xf32>
    %slice3A_103 = vector.extract_strided_slice %reshape3A {offsets = [0, 2, 0], sizes = [8, 1, 2048], strides = [1, 1, 1]} : vector<8x8x2048xf32> to vector<8x1x2048xf32>
    %slice3A_104 = vector.extract_strided_slice %reshape3A_39 {offsets = [2, 0, 0], sizes = [1, 8, 2048], strides = [1, 1, 1]} : vector<8x8x2048xf32> to vector<1x8x2048xf32>
    %mul3A_105 = vector.broadcast %slice3A_103 : vector<8x1x2048xf32> to vector<8x8x2048xf32>
    %mul3A_106 = vector.broadcast %slice3A_104 : vector<1x8x2048xf32> to vector<8x8x2048xf32>
    %mul3A_107 = arith.mulf %mul3A_105, %mul3A_106 : vector<8x8x2048xf32>
    %add3A_108 = arith.addf %add3A_102, %mul3A_107 : vector<8x8x2048xf32>
    %slice3A_109 = vector.extract_strided_slice %reshape3A {offsets = [0, 3, 0], sizes = [8, 1, 2048], strides = [1, 1, 1]} : vector<8x8x2048xf32> to vector<8x1x2048xf32>
    %slice3A_110 = vector.extract_strided_slice %reshape3A_39 {offsets = [3, 0, 0], sizes = [1, 8, 2048], strides = [1, 1, 1]} : vector<8x8x2048xf32> to vector<1x8x2048xf32>
    %mul3A_111 = vector.broadcast %slice3A_109 : vector<8x1x2048xf32> to vector<8x8x2048xf32>
    %mul3A_112 = vector.broadcast %slice3A_110 : vector<1x8x2048xf32> to vector<8x8x2048xf32>
    %mul3A_113 = arith.mulf %mul3A_111, %mul3A_112 : vector<8x8x2048xf32>
    %add3A_114 = arith.addf %add3A_108, %mul3A_113 : vector<8x8x2048xf32>
    %slice3A_115 = vector.extract_strided_slice %reshape3A {offsets = [0, 4, 0], sizes = [8, 1, 2048], strides = [1, 1, 1]} : vector<8x8x2048xf32> to vector<8x1x2048xf32>
    %slice3A_116 = vector.extract_strided_slice %reshape3A_39 {offsets = [4, 0, 0], sizes = [1, 8, 2048], strides = [1, 1, 1]} : vector<8x8x2048xf32> to vector<1x8x2048xf32>
    %mul3A_117 = vector.broadcast %slice3A_115 : vector<8x1x2048xf32> to vector<8x8x2048xf32>
    %mul3A_118 = vector.broadcast %slice3A_116 : vector<1x8x2048xf32> to vector<8x8x2048xf32>
    %mul3A_119 = arith.mulf %mul3A_117, %mul3A_118 : vector<8x8x2048xf32>
    %add3A_120 = arith.addf %add3A_114, %mul3A_119 : vector<8x8x2048xf32>
    %slice3A_121 = vector.extract_strided_slice %reshape3A {offsets = [0, 5, 0], sizes = [8, 1, 2048], strides = [1, 1, 1]} : vector<8x8x2048xf32> to vector<8x1x2048xf32>
    %slice3A_122 = vector.extract_strided_slice %reshape3A_39 {offsets = [5, 0, 0], sizes = [1, 8, 2048], strides = [1, 1, 1]} : vector<8x8x2048xf32> to vector<1x8x2048xf32>
    %mul3A_123 = vector.broadcast %slice3A_121 : vector<8x1x2048xf32> to vector<8x8x2048xf32>
    %mul3A_124 = vector.broadcast %slice3A_122 : vector<1x8x2048xf32> to vector<8x8x2048xf32>
    %mul3A_125 = arith.mulf %mul3A_123, %mul3A_124 : vector<8x8x2048xf32>
    %add3A_126 = arith.addf %add3A_120, %mul3A_125 : vector<8x8x2048xf32>
    %slice3A_127 = vector.extract_strided_slice %reshape3A {offsets = [0, 6, 0], sizes = [8, 1, 2048], strides = [1, 1, 1]} : vector<8x8x2048xf32> to vector<8x1x2048xf32>
    %slice3A_128 = vector.extract_strided_slice %reshape3A_39 {offsets = [6, 0, 0], sizes = [1, 8, 2048], strides = [1, 1, 1]} : vector<8x8x2048xf32> to vector<1x8x2048xf32>
    %mul3A_129 = vector.broadcast %slice3A_127 : vector<8x1x2048xf32> to vector<8x8x2048xf32>
    %mul3A_130 = vector.broadcast %slice3A_128 : vector<1x8x2048xf32> to vector<8x8x2048xf32>
    %mul3A_131 = arith.mulf %mul3A_129, %mul3A_130 : vector<8x8x2048xf32>
    %add3A_132 = arith.addf %add3A_126, %mul3A_131 : vector<8x8x2048xf32>
    %slice3A_133 = vector.extract_strided_slice %reshape3A {offsets = [0, 7, 0], sizes = [8, 1, 2048], strides = [1, 1, 1]} : vector<8x8x2048xf32> to vector<8x1x2048xf32>
    %slice3A_134 = vector.extract_strided_slice %reshape3A_39 {offsets = [7, 0, 0], sizes = [1, 8, 2048], strides = [1, 1, 1]} : vector<8x8x2048xf32> to vector<1x8x2048xf32>
    %mul3A_135 = vector.broadcast %slice3A_133 : vector<8x1x2048xf32> to vector<8x8x2048xf32>
    %mul3A_136 = vector.broadcast %slice3A_134 : vector<1x8x2048xf32> to vector<8x8x2048xf32>
    %mul3A_137 = arith.mulf %mul3A_135, %mul3A_136 : vector<8x8x2048xf32>
    %add3A_138 = arith.addf %add3A_132, %mul3A_137 : vector<8x8x2048xf32>
    %slice3A_139 = vector.extract_strided_slice %add3A_138 {offsets = [0, 0, 0], sizes = [8, 1, 2048], strides = [1, 1, 1]} : vector<8x8x2048xf32> to vector<8x1x2048xf32>
    %slice3A_140 = vector.extract_strided_slice %reshape3A_64 {offsets = [0, 0, 0], sizes = [1, 8, 2048], strides = [1, 1, 1]} : vector<8x8x2048xf32> to vector<1x8x2048xf32>
    %mul3A_141 = vector.broadcast %slice3A_139 : vector<8x1x2048xf32> to vector<8x8x2048xf32>
    %mul3A_142 = vector.broadcast %slice3A_140 : vector<1x8x2048xf32> to vector<8x8x2048xf32>
    %mul3A_143 = arith.mulf %mul3A_141, %mul3A_142 : vector<8x8x2048xf32>
    %add3A_144 = arith.constant 0.000000e+00 : f32
    %add3A_145 = vector.broadcast %add3A_144 : f32 to vector<8x8x2048xf32>
    %add3A_146 = arith.addf %add3A_145, %mul3A_143 : vector<8x8x2048xf32>
    %slice3A_147 = vector.extract_strided_slice %add3A_138 {offsets = [0, 1, 0], sizes = [8, 1, 2048], strides = [1, 1, 1]} : vector<8x8x2048xf32> to vector<8x1x2048xf32>
    %slice3A_148 = vector.extract_strided_slice %reshape3A_64 {offsets = [1, 0, 0], sizes = [1, 8, 2048], strides = [1, 1, 1]} : vector<8x8x2048xf32> to vector<1x8x2048xf32>
    %mul3A_149 = vector.broadcast %slice3A_147 : vector<8x1x2048xf32> to vector<8x8x2048xf32>
    %mul3A_150 = vector.broadcast %slice3A_148 : vector<1x8x2048xf32> to vector<8x8x2048xf32>
    %mul3A_151 = arith.mulf %mul3A_149, %mul3A_150 : vector<8x8x2048xf32>
    %add3A_152 = arith.addf %add3A_146, %mul3A_151 : vector<8x8x2048xf32>
    %slice3A_153 = vector.extract_strided_slice %add3A_138 {offsets = [0, 2, 0], sizes = [8, 1, 2048], strides = [1, 1, 1]} : vector<8x8x2048xf32> to vector<8x1x2048xf32>
    %slice3A_154 = vector.extract_strided_slice %reshape3A_64 {offsets = [2, 0, 0], sizes = [1, 8, 2048], strides = [1, 1, 1]} : vector<8x8x2048xf32> to vector<1x8x2048xf32>
    %mul3A_155 = vector.broadcast %slice3A_153 : vector<8x1x2048xf32> to vector<8x8x2048xf32>
    %mul3A_156 = vector.broadcast %slice3A_154 : vector<1x8x2048xf32> to vector<8x8x2048xf32>
    %mul3A_157 = arith.mulf %mul3A_155, %mul3A_156 : vector<8x8x2048xf32>
    %add3A_158 = arith.addf %add3A_152, %mul3A_157 : vector<8x8x2048xf32>
    %slice3A_159 = vector.extract_strided_slice %add3A_138 {offsets = [0, 3, 0], sizes = [8, 1, 2048], strides = [1, 1, 1]} : vector<8x8x2048xf32> to vector<8x1x2048xf32>
    %slice3A_160 = vector.extract_strided_slice %reshape3A_64 {offsets = [3, 0, 0], sizes = [1, 8, 2048], strides = [1, 1, 1]} : vector<8x8x2048xf32> to vector<1x8x2048xf32>
    %mul3A_161 = vector.broadcast %slice3A_159 : vector<8x1x2048xf32> to vector<8x8x2048xf32>
    %mul3A_162 = vector.broadcast %slice3A_160 : vector<1x8x2048xf32> to vector<8x8x2048xf32>
    %mul3A_163 = arith.mulf %mul3A_161, %mul3A_162 : vector<8x8x2048xf32>
    %add3A_164 = arith.addf %add3A_158, %mul3A_163 : vector<8x8x2048xf32>
    %slice3A_165 = vector.extract_strided_slice %add3A_138 {offsets = [0, 4, 0], sizes = [8, 1, 2048], strides = [1, 1, 1]} : vector<8x8x2048xf32> to vector<8x1x2048xf32>
    %slice3A_166 = vector.extract_strided_slice %reshape3A_64 {offsets = [4, 0, 0], sizes = [1, 8, 2048], strides = [1, 1, 1]} : vector<8x8x2048xf32> to vector<1x8x2048xf32>
    %mul3A_167 = vector.broadcast %slice3A_165 : vector<8x1x2048xf32> to vector<8x8x2048xf32>
    %mul3A_168 = vector.broadcast %slice3A_166 : vector<1x8x2048xf32> to vector<8x8x2048xf32>
    %mul3A_169 = arith.mulf %mul3A_167, %mul3A_168 : vector<8x8x2048xf32>
    %add3A_170 = arith.addf %add3A_164, %mul3A_169 : vector<8x8x2048xf32>
    %slice3A_171 = vector.extract_strided_slice %add3A_138 {offsets = [0, 5, 0], sizes = [8, 1, 2048], strides = [1, 1, 1]} : vector<8x8x2048xf32> to vector<8x1x2048xf32>
    %slice3A_172 = vector.extract_strided_slice %reshape3A_64 {offsets = [5, 0, 0], sizes = [1, 8, 2048], strides = [1, 1, 1]} : vector<8x8x2048xf32> to vector<1x8x2048xf32>
    %mul3A_173 = vector.broadcast %slice3A_171 : vector<8x1x2048xf32> to vector<8x8x2048xf32>
    %mul3A_174 = vector.broadcast %slice3A_172 : vector<1x8x2048xf32> to vector<8x8x2048xf32>
    %mul3A_175 = arith.mulf %mul3A_173, %mul3A_174 : vector<8x8x2048xf32>
    %add3A_176 = arith.addf %add3A_170, %mul3A_175 : vector<8x8x2048xf32>
    %slice3A_177 = vector.extract_strided_slice %add3A_138 {offsets = [0, 6, 0], sizes = [8, 1, 2048], strides = [1, 1, 1]} : vector<8x8x2048xf32> to vector<8x1x2048xf32>
    %slice3A_178 = vector.extract_strided_slice %reshape3A_64 {offsets = [6, 0, 0], sizes = [1, 8, 2048], strides = [1, 1, 1]} : vector<8x8x2048xf32> to vector<1x8x2048xf32>
    %mul3A_179 = vector.broadcast %slice3A_177 : vector<8x1x2048xf32> to vector<8x8x2048xf32>
    %mul3A_180 = vector.broadcast %slice3A_178 : vector<1x8x2048xf32> to vector<8x8x2048xf32>
    %mul3A_181 = arith.mulf %mul3A_179, %mul3A_180 : vector<8x8x2048xf32>
    %add3A_182 = arith.addf %add3A_176, %mul3A_181 : vector<8x8x2048xf32>
    %slice3A_183 = vector.extract_strided_slice %add3A_138 {offsets = [0, 7, 0], sizes = [8, 1, 2048], strides = [1, 1, 1]} : vector<8x8x2048xf32> to vector<8x1x2048xf32>
    %slice3A_184 = vector.extract_strided_slice %reshape3A_64 {offsets = [7, 0, 0], sizes = [1, 8, 2048], strides = [1, 1, 1]} : vector<8x8x2048xf32> to vector<1x8x2048xf32>
    %mul3A_185 = vector.broadcast %slice3A_183 : vector<8x1x2048xf32> to vector<8x8x2048xf32>
    %mul3A_186 = vector.broadcast %slice3A_184 : vector<1x8x2048xf32> to vector<8x8x2048xf32>
    %mul3A_187 = arith.mulf %mul3A_185, %mul3A_186 : vector<8x8x2048xf32>
    %add3A_188 = arith.addf %add3A_182, %mul3A_187 : vector<8x8x2048xf32>
    %slice3A_189 = vector.extract_strided_slice %add3A_188 {offsets = [0, 0, 0], sizes = [8, 1, 2048], strides = [1, 1, 1]} : vector<8x8x2048xf32> to vector<8x1x2048xf32>
    %slice3A_190 = vector.extract_strided_slice %reshape3A_89 {offsets = [0, 0, 0], sizes = [1, 8, 2048], strides = [1, 1, 1]} : vector<8x8x2048xf32> to vector<1x8x2048xf32>
    %mul3A_191 = vector.broadcast %slice3A_189 : vector<8x1x2048xf32> to vector<8x8x2048xf32>
    %mul3A_192 = vector.broadcast %slice3A_190 : vector<1x8x2048xf32> to vector<8x8x2048xf32>
    %mul3A_193 = arith.mulf %mul3A_191, %mul3A_192 : vector<8x8x2048xf32>
    %add3A_194 = arith.constant 0.000000e+00 : f32
    %add3A_195 = vector.broadcast %add3A_194 : f32 to vector<8x8x2048xf32>
    %add3A_196 = arith.addf %add3A_195, %mul3A_193 : vector<8x8x2048xf32>
    %slice3A_197 = vector.extract_strided_slice %add3A_188 {offsets = [0, 1, 0], sizes = [8, 1, 2048], strides = [1, 1, 1]} : vector<8x8x2048xf32> to vector<8x1x2048xf32>
    %slice3A_198 = vector.extract_strided_slice %reshape3A_89 {offsets = [1, 0, 0], sizes = [1, 8, 2048], strides = [1, 1, 1]} : vector<8x8x2048xf32> to vector<1x8x2048xf32>
    %mul3A_199 = vector.broadcast %slice3A_197 : vector<8x1x2048xf32> to vector<8x8x2048xf32>
    %mul3A_200 = vector.broadcast %slice3A_198 : vector<1x8x2048xf32> to vector<8x8x2048xf32>
    %mul3A_201 = arith.mulf %mul3A_199, %mul3A_200 : vector<8x8x2048xf32>
    %add3A_202 = arith.addf %add3A_196, %mul3A_201 : vector<8x8x2048xf32>
    %slice3A_203 = vector.extract_strided_slice %add3A_188 {offsets = [0, 2, 0], sizes = [8, 1, 2048], strides = [1, 1, 1]} : vector<8x8x2048xf32> to vector<8x1x2048xf32>
    %slice3A_204 = vector.extract_strided_slice %reshape3A_89 {offsets = [2, 0, 0], sizes = [1, 8, 2048], strides = [1, 1, 1]} : vector<8x8x2048xf32> to vector<1x8x2048xf32>
    %mul3A_205 = vector.broadcast %slice3A_203 : vector<8x1x2048xf32> to vector<8x8x2048xf32>
    %mul3A_206 = vector.broadcast %slice3A_204 : vector<1x8x2048xf32> to vector<8x8x2048xf32>
    %mul3A_207 = arith.mulf %mul3A_205, %mul3A_206 : vector<8x8x2048xf32>
    %add3A_208 = arith.addf %add3A_202, %mul3A_207 : vector<8x8x2048xf32>
    %slice3A_209 = vector.extract_strided_slice %add3A_188 {offsets = [0, 3, 0], sizes = [8, 1, 2048], strides = [1, 1, 1]} : vector<8x8x2048xf32> to vector<8x1x2048xf32>
    %slice3A_210 = vector.extract_strided_slice %reshape3A_89 {offsets = [3, 0, 0], sizes = [1, 8, 2048], strides = [1, 1, 1]} : vector<8x8x2048xf32> to vector<1x8x2048xf32>
    %mul3A_211 = vector.broadcast %slice3A_209 : vector<8x1x2048xf32> to vector<8x8x2048xf32>
    %mul3A_212 = vector.broadcast %slice3A_210 : vector<1x8x2048xf32> to vector<8x8x2048xf32>
    %mul3A_213 = arith.mulf %mul3A_211, %mul3A_212 : vector<8x8x2048xf32>
    %add3A_214 = arith.addf %add3A_208, %mul3A_213 : vector<8x8x2048xf32>
    %slice3A_215 = vector.extract_strided_slice %add3A_188 {offsets = [0, 4, 0], sizes = [8, 1, 2048], strides = [1, 1, 1]} : vector<8x8x2048xf32> to vector<8x1x2048xf32>
    %slice3A_216 = vector.extract_strided_slice %reshape3A_89 {offsets = [4, 0, 0], sizes = [1, 8, 2048], strides = [1, 1, 1]} : vector<8x8x2048xf32> to vector<1x8x2048xf32>
    %mul3A_217 = vector.broadcast %slice3A_215 : vector<8x1x2048xf32> to vector<8x8x2048xf32>
    %mul3A_218 = vector.broadcast %slice3A_216 : vector<1x8x2048xf32> to vector<8x8x2048xf32>
    %mul3A_219 = arith.mulf %mul3A_217, %mul3A_218 : vector<8x8x2048xf32>
    %add3A_220 = arith.addf %add3A_214, %mul3A_219 : vector<8x8x2048xf32>
    %slice3A_221 = vector.extract_strided_slice %add3A_188 {offsets = [0, 5, 0], sizes = [8, 1, 2048], strides = [1, 1, 1]} : vector<8x8x2048xf32> to vector<8x1x2048xf32>
    %slice3A_222 = vector.extract_strided_slice %reshape3A_89 {offsets = [5, 0, 0], sizes = [1, 8, 2048], strides = [1, 1, 1]} : vector<8x8x2048xf32> to vector<1x8x2048xf32>
    %mul3A_223 = vector.broadcast %slice3A_221 : vector<8x1x2048xf32> to vector<8x8x2048xf32>
    %mul3A_224 = vector.broadcast %slice3A_222 : vector<1x8x2048xf32> to vector<8x8x2048xf32>
    %mul3A_225 = arith.mulf %mul3A_223, %mul3A_224 : vector<8x8x2048xf32>
    %add3A_226 = arith.addf %add3A_220, %mul3A_225 : vector<8x8x2048xf32>
    %slice3A_227 = vector.extract_strided_slice %add3A_188 {offsets = [0, 6, 0], sizes = [8, 1, 2048], strides = [1, 1, 1]} : vector<8x8x2048xf32> to vector<8x1x2048xf32>
    %slice3A_228 = vector.extract_strided_slice %reshape3A_89 {offsets = [6, 0, 0], sizes = [1, 8, 2048], strides = [1, 1, 1]} : vector<8x8x2048xf32> to vector<1x8x2048xf32>
    %mul3A_229 = vector.broadcast %slice3A_227 : vector<8x1x2048xf32> to vector<8x8x2048xf32>
    %mul3A_230 = vector.broadcast %slice3A_228 : vector<1x8x2048xf32> to vector<8x8x2048xf32>
    %mul3A_231 = arith.mulf %mul3A_229, %mul3A_230 : vector<8x8x2048xf32>
    %add3A_232 = arith.addf %add3A_226, %mul3A_231 : vector<8x8x2048xf32>
    %slice3A_233 = vector.extract_strided_slice %add3A_188 {offsets = [0, 7, 0], sizes = [8, 1, 2048], strides = [1, 1, 1]} : vector<8x8x2048xf32> to vector<8x1x2048xf32>
    %slice3A_234 = vector.extract_strided_slice %reshape3A_89 {offsets = [7, 0, 0], sizes = [1, 8, 2048], strides = [1, 1, 1]} : vector<8x8x2048xf32> to vector<1x8x2048xf32>
    %mul3A_235 = vector.broadcast %slice3A_233 : vector<8x1x2048xf32> to vector<8x8x2048xf32>
    %mul3A_236 = vector.broadcast %slice3A_234 : vector<1x8x2048xf32> to vector<8x8x2048xf32>
    %mul3A_237 = arith.mulf %mul3A_235, %mul3A_236 : vector<8x8x2048xf32>
    %add3A_238 = arith.addf %add3A_232, %mul3A_237 : vector<8x8x2048xf32>
    %iota3A = tpu.iota {dimensions = array<i32: 0>} : vector<8x8x1xi32>
    %iota3A_239 = tpu.iota {dimensions = array<i32: 1>} : vector<8x8x1xi32>
    %eq3A_240 = arith.cmpi eq, %iota3A, %iota3A_239 : vector<8x8x1xi32>
    %jit3A = arith.constant 0.000000e+00 : f32
    %broadcast_in_dim3A_241 = vector.shape_cast %eq3A_240 : vector<8x8x1xi1> to vector<8x8x1xi1>
    %broadcast_in_dim3A_242 = vector.broadcast %broadcast_in_dim3A_241 : vector<8x8x1xi1> to vector<8x8x2048xi1>
    %broadcast_in_dim3A_243 = vector.broadcast %jit3A : f32 to vector<8x8x2048xf32>
    %select_n3A_244 = arith.select %broadcast_in_dim3A_242, %add3A_238, %broadcast_in_dim3A_243 : vector<8x8x2048xi1>, vector<8x8x2048xf32>
    %reduce_sum3A = arith.constant dense<0.000000e+00> : vector<2048xf32>
    %reduce_sum3A_245 = vector.multi_reduction <add>, %select_n3A_244, %reduce_sum3A [0, 1] : vector<8x8x2048xf32> to vector<2048xf32>
    %log3A = math.log %reduce_sum3A_245 : vector<2048xf32>
    %get3A_246 = arith.constant 0 : index
    %get3A_247 = arith.constant 0 : index
    %get3A_248 = memref.load %arg3[%get3A_246, %get3A_247] : memref<1x1xf32, #tpu.memory_space<smem>>
    %sub3A = vector.broadcast %get3A_248 : f32 to vector<2048xf32>
    %sub3A_249 = arith.subf %log3A, %sub3A : vector<2048xf32>
    %reshape3A_250 = vector.shape_cast %sub3A_249 : vector<2048xf32> to vector<1x2048xf32>
    %swap3A = arith.constant 0 : index
    %swap3A_251 = arith.constant 0 : index
    %swap3A_252 = vector.load %arg4[%swap3A, %swap3A_251] : memref<1x2048xf32, #tpu.memory_space<vmem>>, vector<1x2048xf32>
    tpu.vector_store %arg4[%swap3A, %swap3A_251], %reshape3A_250 {strides = array<i32>} : memref<1x2048xf32, #tpu.memory_space<vmem>>, vector<1x2048xf32>,
    return
  }
  func.func @transform_0(%arg0: i32) -> (i32, i32, i32) {
    %c0_i32 = arith.constant 0 : i32
    %c0_i32_0 = arith.constant 0 : i32
    %c0_i32_1 = arith.constant 0 : i32
    return %c0_i32, %arg0, %c0_i32_0 : i32, i32, i32
  }
  func.func @transform_1(%arg0: i32) -> (i32, i32) {
    %c0_i32 = arith.constant 0 : i32
    %c0_i32_0 = arith.constant 0 : i32
    return %c0_i32, %arg0 : i32, i32
  }
  func.func @transform_2(%arg0: i32) -> (i32, i32) {
    %c0_i32 = arith.constant 0 : i32
    %c0_i32_0 = arith.constant 0 : i32
    %c0_i32_1 = arith.constant 0 : i32
    return %c0_i32, %c0_i32_0 : i32, i32
  }
  func.func @transform_3(%arg0: i32) -> (i32, i32) {
    %c0_i32 = arith.constant 0 : i32
    %c0_i32_0 = arith.constant 0 : i32
    return %c0_i32, %arg0 : i32, i32
  }
}

</mosaic_0001>

<sc_bundles>
// kernel: kernel.5.cloned.1.call-start
scs
__scs_entry_jumppad:
0x0: {  	(pc) =	sbr.rel $0x88, $3  }
0x1: {  	(tag) =	ssettag $0x0;
	lr =	simm.s32 $0x1  }
0x2: {  	[smem:$0x3F9F] =	sst lr;
	_ =	strace $0xD0000000  }
0x3: {  	_ = 	snop  }
0x4: {  	_ = 	snop  }
0x5: {  	_ = 	snop  }
0x6: {  	_ = 	snop  }
0x7: {  	_ = 	snop  }
__scs_overlays_trampoline_lowered:
0x8: {  	[smem:$0x3FAE] =	sst s0  }
0x9: {  	[smem:$0x3FAF] =	sst s1  }
0xa: {  	[smem:$0x3FB0] =	sst s2  }
0xb: {  	[smem:$0x3FB1] =	sst s3  }
0xc: {  	[smem:$0x3FB2] =	sst s4  }
0xd: {  	[smem:$0x3FB3] =	sst s5  }
0xe: {  	[smem:$0x3FB4] =	sst s6  }
0xf: {  	[smem:$0x3FB5] =	sst s7  }
0x10: {  	[smem:$0x3FB6] =	sst s8  }
0x11: {  	[smem:$0x3FB7] =	sst s9;
	s0 =	simm.s32 @!p0 $0x0  }
0x12: {  	s1 =	sld [smem:$0x3F9D];
	s0 =	simm.s32 @p0 $0x1  }
0x13: {  	[smem:$0x3FB8] =	sst s0;
	s0 =	simm.s32 @!p1 $0x0  }
0x14: {  	s2 =	sld [smem:$0x3F9C];
	s0 =	simm.s32 @p1 $0x1  }
0x15: {  	[smem:$0x3FB9] =	sst s0;
	s0 =	simm.s32 @!p2 $0x0  }
0x16: {  	s3 =	sld [smem:$0x3FDB];
	s0 =	simm.s32 @p2 $0x1  }
0x17: {  	s4 =	simm.s32 $0x1BF5;
	[smem:$0x3FBB] =	sst s0  }
0x18: {  	s0 =	sld [smem:$0x3F9E];
	_ =	swait.ge [sflag:s4], $0x0  }
0x19: {  	s7 =	sld [smem:$0x3F9F]  }
0x1a: {  	s8 =	sadd.s32 $0xFFFFE003, lr  }
0x1b: {  	s9 =	sadd.s32 $0xFFFFFEF7, lr;
	s5 =	simm.s32 $0xFFFFFFFF;
	p2 =	slt.u32 s8, $0xFFFFF086  }
0x1c: {  	p1 =	slt.u32 s9, $0xF7A;
	s5 =	simm.s32 @!p2 $0x0  }
0x1d: {  	s5 =	simm.s32 @p1 $0x1;
	p0 =	seq.s32 s7, s2  }
0x1e: {  	s7 =	smul.u32 @!p0 $0xF7A, s2;
	p2 =	seq.s32 @!p0 s5, $0x0  }
0x1f: {  	s9 =	smul.u32 $0xF7A, s1;
	s8 =	simm.s32 @!p0 $0x1BF5;
	p2 =	por !p2, p0  }
0x20: {  	[sflag:s8] =	ssyncset.s32 @!p0 $0xFFFFF086;
	s6 =	sadd.s32 @!p0 s3, s7;
	s7 =	simm.s32 @!p0 $0x108  }
0x21: {  	s3 =	sadd.s32 s3, s9;
	s6 =	sadd.s32 @!p0 $0x88, s6;
	s7 =	simm.s32 @p2 $0x1082  }
0x22: {  	[simem:s7], [sflag:s8] =	dma.local @!p0 [hbm:s6], $0xF7A  }
0x23: {  	s9 =	sor.u32 $0xD0000000, s2;
	s6 =	simm.s32 $0x108;
	_ =	swait.ge @!p0 [sflag:s8], $0x0  }
0x24: {  	s3 =	sadd.s32 $0x88, s3;
	s6 =	simm.s32 @!p1 $0x1082;
	[sflag:s4] =	ssyncset.s32 $0xFFFFF086  }
0x25: {  	[simem:s6], [sflag:s4] =	dma.local [hbm:s3], $0xF7A  }
0x26: {  	[smem:$0x3F9F] =	sst s1;
	(tag) =	ssettag s2;
	_ =	strace s9  }
0x27: {  	s1 =	sld [smem:$0x3FAF]  }
0x28: {  	s2 =	sld [smem:$0x3FB0]  }
0x29: {  	s4 =	sld [smem:$0x3FB2]  }
0x2a: {  	p0 =	seq.s32 s5, $0x0;
	s5 =	sld [smem:$0x3FB3]  }
0x2b: {  	s6 =	sld [smem:$0x3FB4]  }
0x2c: {  	s7 =	sld [smem:$0x3FB5]  }
0x2d: {  	s3 =	simm.s32 $0x108;
	s8 =	sld [smem:$0x3FB6]  }
0x2e: {  	s3 =	simm.s32 @!p0 $0x1082;
	s9 =	sld [smem:$0x3FB7]  }
0x2f: {  	lr =	sadd.s32 s0, s3;
	s0 =	sld [smem:$0x3FAE]  }
0x30: {  	s3 =	sld [smem:$0x3FB1]  }
0x31: {  	[smem:$0x3FBA] =	sst s10  }
0x32: {  	s10 =	sld [smem:$0x3FB8];
	_ =	sdelay $0x3  }
0x33: {  	p0 =	seq.s32 s10, $0x1;
	s10 =	sld [smem:$0x3FBA];
	_ =	sdelay $0x3  }
0x34: {  	[smem:$0x3FBA] =	sst s10  }
0x35: {  	s10 =	sld [smem:$0x3FB9];
	_ =	sdelay $0x3  }
0x36: {  	p1 =	seq.s32 s10, $0x1;
	s10 =	sld [smem:$0x3FBA];
	_ =	sdelay $0x3  }
0x37: {  	[smem:$0x3FBA] =	sst s10  }
0x38: {  	s10 =	sld [smem:$0x3FBB]  }
0x39: {  	_ = 	snop;
	(pc) =	sbr.ind lr, $3  }
0x3a: {  	_ = 	snop  }
0x3b: {  	_ = 	snop  }
0x3c: {  	p2 =	seq.s32 s10, $0x1;
	s10 =	sld [smem:$0x3FBA]  }
0x3d: {  	_ =	shalt  }
0x3e: {  	_ =	shalt  }
0x3f: {  	_ =	shalt  }
0x40: {  	_ =	shalt  }
0x41: {  	_ =	shalt  }
0x42: {  	_ =	shalt  }
0x43: {  	_ =	shalt  }
0x44: {  	_ =	shalt  }
0x45: {  	_ =	shalt  }
0x46: {  	_ =	shalt  }
0x47: {  	_ =	shalt  }
0x48: {  	_ =	shalt  }
0x49: {  	_ =	shalt  }
0x4a: {  	_ =	shalt  }
0x4b: {  	_ =	shalt  }
0x4c: {  	_ =	shalt  }
0x4d: {  	_ =	shalt  }
0x4e: {  	_ =	shalt  }
0x4f: {  	_ =	shalt  }
0x50: {  	_ =	shalt  }
0x51: {  	_ =	shalt  }
0x52: {  	_ =	shalt  }
0x53: {  	_ =	shalt  }
0x54: {  	_ =	shalt  }
0x55: {  	_ =	shalt  }
0x56: {  	_ =	shalt  }
0x57: {  	_ =	shalt  }
0x58: {  	_ =	shalt  }
0x59: {  	_ =	shalt  }
0x5a: {  	_ =	shalt  }
0x5b: {  	_ =	shalt  }
0x5c: {  	_ =	shalt  }
0x5d: {  	_ =	shalt  }
0x5e: {  	_ =	shalt  }
0x5f: {  	_ =	shalt  }
0x60: {  	_ =	shalt  }
0x61: {  	_ =	shalt  }
0x62: {  	_ =	shalt  }
0x63: {  	_ =	shalt  }
0x64: {  	_ =	shalt  }
0x65: {  	_ =	shalt  }
0x66: {  	_ =	shalt  }
0x67: {  	_ =	shalt  }
0x68: {  	_ =	shalt  }
0x69: {  	_ =	shalt  }
0x6a: {  	_ =	shalt  }
0x6b: {  	_ =	shalt  }
0x6c: {  	_ =	shalt  }
0x6d: {  	_ =	shalt  }
0x6e: {  	_ =	shalt  }
0x6f: {  	_ =	shalt  }
0x70: {  	_ =	shalt  }
0x71: {  	_ =	shalt  }
0x72: {  	_ =	shalt  }
0x73: {  	_ =	shalt  }
0x74: {  	_ =	shalt  }
0x75: {  	_ =	shalt  }
0x76: {  	_ =	shalt  }
0x77: {  	_ =	shalt  }
0x78: {  	_ =	shalt  }
0x79: {  	_ =	shalt  }
0x7a: {  	_ =	shalt  }
0x7b: {  	_ =	shalt  }
0x7c: {  	_ =	shalt  }
0x7d: {  	_ =	shalt  }
0x7e: {  	_ =	shalt  }
0x7f: {  	_ =	shalt  }
0x80: {  	_ =	shalt  }
0x81: {  	_ =	shalt  }
0x82: {  	_ =	shalt  }
0x83: {  	_ =	shalt  }
0x84: {  	_ =	shalt  }
0x85: {  	_ =	shalt  }
0x86: {  	_ =	shalt  }
0x87: {  	_ =	shalt  }
.Lfunc_end0:
.L_simem_size_0:
called_computation_lowered:
.L_overlay_start_0:
0x88: {  	s2 =	sld [smem:$0x3FD9]  }
0x89: {  	s3 =	sld [smem:$0x3FFE];
	_ =	sdelay $0x1  }
0x8a: {  	s1 =	srdreg.scid  }
0x8b: {  	s0 =	sand.u32 $0x1, s1  }
0x8c: {  	s16 =	sshll.u32 s0, $0xA;
	s2 =	sadd.s32 s3, s2  }
0x8d: {  	s2 =	sadd.s32 s2, s16  }
0x8e: {  	[smem:$0x3FC6] =	sst s2  }
0x8f: {  	_ = 	snop  }
0x90: {  	(tm) =	ssettm $0x1  }
0x91: {  	s17 =	sld [smem:$0x3FFB];
	_ =	sdelay $0x3  }
0x92: {  	_ =	strace s17  }
0x93: {  	s2 =	sld [smem:$0x3FFC];
	_ =	sdelay $0x3  }
0x94: {  	_ =	strace s2  }
0x95: {  	s2 =	sld [smem:$0x3FFD];
	_ =	sdelay $0x3  }
0x96: {  	_ =	strace s2  }
0x97: {  	_ =	strace $0x8FFFFFFF  }
0x98: {  	s18 =	sld [smem:$0x3FDB];
	_ =	sdelay $0x1  }
0x99: {  	s19 =	simm.s32 $_scs_section_size  }
0x9a: {  	s4 =	simm.s32 $_size__tile_overlayer_lowered;
	s5 =	simm.s32 $_tile_overlayer_lowered  }
0x9b: {  	s22 =	simm.s32 $0x1BFF;
	s21 =	sshll.u32 s5, $0x1;
	s2 =	sadd.s32 s19, s18  }
0x9c: {  	s6 =	simm.s32 $0x0;
	s20 =	sshll.u32 s4, $0x1;
	s4 =	sadd.s32 s21, s2  }
0x9d: {  	[timem:s6], [sflag:s22] =	dma.local [hbm:s4], s20  }
0x9e: {  	_ =	swait.ge [sflag:s22], s20  }
0x9f: {  	s3 =	ssub.s32 $0x0, s20;
	[sflag:s22] =	ssyncset.done $0x0  }
0xa0: {  	[sflag:s22] =	ssyncadd.s32 s3;
	_ =	sdelay $0x1  }
0xa1: {  	s23 =	simm.s32 $0x1B8B  }
0xa2: {  	_ =	swait.ge [sflag:s23], $0x1  }
0xa3: {  	[sflag:s23] =	ssyncset.done $0x0  }
0xa4: {  	s25 =	simm.s32 $0x1B8E;
	s24 =	sld [smem:$0x3FFE];
	[sflag:s23] =	ssyncadd.s32 $0xFFFFFFFF  }
0xa5: {  	s26 =	simm.s32 $execute0_lowered;
	[smem:$0x3FD2] =	sst s25  }
0xa6: {  	s4 =	sshll.u32 s26, $0x1;
	_ =	strace $0x80000046;
	[dreg:$0x1] =	wrdreg $0xFFFFFFFF  }
0xa7: {  	s28 =	simm.s32 $_size_execute0_lowered;
	s2 =	sadd.s32 s2, s4;
	[dreg:$0x0] =	wrdreg $0x0  }
0xa8: {  	s4 =	sshll.u32 s28, $0x1;
	[dreg:$0x2] =	wrdreg s2  }
0xa9: {  	[dreg:$0x3] =	wrdreg s4  }
0xaa: {  	[dreg:$0x4] =	wrdreg $0xC0  }
0xab: {  	_ =	task [dreg:s6], $0x5FFFF  }
0xac: {  	[dreg:$0x1] =	wrdreg $0xFFFFFFFF  }
0xad: {  	[dreg:$0x0] =	wrdreg $0x60  }
0xae: {  	[dreg:$0x2] =	wrdreg s24  }
0xaf: {  	[dreg:$0x3] =	wrdreg $0x9  }
0xb0: {  	_ =	task.clear_ibuf [dreg:s6], $0x4FFFF;
	_ =	strace $0x90000046  }
0xb1: {  	s29 =	simm.s32 $0x9;
	_ =	strace $0x80000048  }
0xb2: {  	_ =	swait.ge [sflag:s29], $0x1  }
0xb3: {  	[sflag:s29] =	ssyncadd.s32 $0xFFFFFFFF  }
0xb4: {  	_ =	strace $0x90000048  }
0xb5: {  	_ =	sfence  }
0xb6: {  	s30 =	sld [smem:$0x0];
	_ =	sdelay $0x2  }
0xb7: {  	s31 =	sshll.u32 s1, $0xD;
	s1 =	sshrl.u32 s1, $0x2  }
0xb8: {  	s3 =	sand.u32 $0x4000, s31;
	s1 =	sadd.s32 s1, s30  }
0xb9: {  	s0 =	sor.u32 s3, s0;
	s1 =	sshll.u32 s1, $0x11  }
0xba: {  	s0 =	sor.u32 s1, s0  }
0xbb: {  	s0 =	sadd.s32 $0x8F2B, s0  }
0xbc: {  	[sflag:s0] =	ssyncadd.remote.s32 $0x1  }
0xbd: {  	_ =	sfence.sel $0xFFFF  }
0xbe: {  	[dreg:$0x0] =	wrdreg $0xFFFFFFFF;
	(pc) =	sbr.abs _section_cstart, $3  }
0xbf: {  	[dreg:$0x1] =	wrdreg $0xFFFFFFFF  }
0xc0: {  	_ =	task.clear_ibuf [dreg:s6], $0x2FFFF;
	_ =	strace $0x9FFFFFFF  }
0xc1: {  	(tm) =	ssettm $0x7FFFFFFF  }
tec
execute0_lowered:
.L_overlay_start_1:
0x0: {  	(tag) =	ssettag $0x1  }
0x1: {  	s1 =	srdreg.scid  }
0x2: {  	s0 =	stileid.u32;
	s24 =	sand.u32 $0x1, s1  }
0x3: {  	s30 =	sshll.u32 s0, $0xA;
	s2 =	sshll.u32 s24, $0x9  }
0x4: {  	s14 =	sor.u32 s2, s30  }
0x5: {  	s23 =	rddreg [dreg:$0x0];
	s2 =	simm.s32 $0x0;
	s3 =	sshrl.u32 s14, $0x3  }
0x6: {  	s4 =	simm.s32 $0x3;
	[smem:$0x7FF] =	sst s2;
	s22 =	sadd.s32 s3, s23  }
0x7: {  	s1 =	rddreg [dreg:$0x1];
	_ =	strace $0x80000047;
	s3 =	sadd.s32 $0x2A00, s22  }
0x8: {  	[tilespmem:s2], [sflag:$0x3] =	stream.linear.gather [hbm4b:s3+s2], $0x200, $0x38;
	[tilespmem:$0x10200] =	vst v63  }
0x9: {  	_ =	swait.ge [sflag:s4], $0x200  }
0xa: {  	s6 =	simm.s32 $0x80;
	[sflag:s4] =	ssyncset.done $0x0  }
0xb: {  	s7 =	simm.s32 $0x200;
	s5 =	sadd.s32 $0x4A00, s23;
	[sflag:s4] =	ssyncadd.s32 $0xFFFFFE00  }
0xc: {  	[tilespmem:s7], [sflag:$0x1] =	stream.indirect.gather [hbm4b:s5+s6], $0x80, s2, s6, $0xb8;
	[tilespmem:$0x10200] =	vst v63  }
0xd: {  	s8 =	simm.s32 $0x4200  }
0xe: {  	[tilespmem:s8], [sflag:$0x1] =	stream.indirect.gather [hbm4b:s5+s6], $0x80, s6, s6, $0xb8;
	[tilespmem:$0x10200] =	vst v63  }
0xf: {  	s9 =	simm.s32 $0x100;
	s10 =	simm.s32 $0x8200  }
0x10: {  	[tilespmem:s10], [sflag:$0x1] =	stream.indirect.gather [hbm4b:s5+s6], $0x80, s9, s6, $0xb8;
	[tilespmem:$0x10200] =	vst v63  }
0x11: {  	s11 =	simm.s32 $0x180;
	s12 =	simm.s32 $0xC200;
	s13 =	simm.s32 $0x1  }
0x12: {  	[tilespmem:s12], [sflag:$0x1] =	stream.indirect.gather [hbm4b:s5+s6], $0x80, s11, s6, $0xb8;
	[tilespmem:$0x10200] =	vst v63  }
0x13: {  	_ =	swait.ge [sflag:s13], $0x4000  }
0x14: {  	[sflag:s13] =	ssyncset.done $0x0  }
0x15: {  	[sflag:s13] =	ssyncadd.s32 $0xFFFFC000  }
0x16: {  	_ =	swait.ge [sflag:s13], $0x4000  }
0x17: {  	[sflag:s13] =	ssyncset.done $0x0  }
0x18: {  	[sflag:s13] =	ssyncadd.s32 $0xFFFFC000  }
0x19: {  	_ =	swait.ge [sflag:s13], $0x4000  }
0x1a: {  	[sflag:s13] =	ssyncset.done $0x0  }
0x1b: {  	[sflag:s13] =	ssyncadd.s32 $0xFFFFC000  }
0x1c: {  	s14 =	sshll.u32 s14, $0x4;
	_ =	swait.ge [sflag:s13], $0x4000  }
0x1d: {  	s25 =	sadd.s32 s14, s23;
	[sflag:s13] =	ssyncset.done $0x0  }
0x1e: {  	s14 =	simm.s32 $0x2;
	s15 =	sadd.s32 $0x312C00, s25;
	[sflag:s13] =	ssyncadd.s32 $0xFFFFC000  }
0x1f: {  	[hbm4b:s15+s2] =	stream.linear.scatter [tilespmem:s7], [sflag:$0x2], $0x10000, $0x38;
	[tilespmem:$0x10200] =	vst v63  }
0x20: {  	_ =	swait.ge [sflag:s14], $0x10000  }
0x21: {  	[sflag:s14] =	ssyncset.done $0x0  }
0x22: {  	s16 =	sadd.s32 $0x3200, s22;
	[sflag:s14] =	ssyncadd.s32 $0xFFFF0000  }
0x23: {  	[tilespmem:s2], [sflag:$0x3] =	stream.linear.gather [hbm4b:s16+s2], $0x200, $0x38;
	[tilespmem:$0x10200] =	vst v63  }
0x24: {  	_ =	swait.ge [sflag:s4], $0x200  }
0x25: {  	[sflag:s4] =	ssyncset.done $0x0  }
0x26: {  	s17 =	sadd.s32 $0xC8200, s23;
	[sflag:s4] =	ssyncadd.s32 $0xFFFFFE00  }
0x27: {  	[tilespmem:s7], [sflag:$0x1] =	stream.indirect.gather [hbm4b:s17+s6], $0x80, s2, s6, $0xb8;
	[tilespmem:$0x10200] =	vst v63  }
0x28: {  	_ = 	snop  }
0x29: {  	[tilespmem:s8], [sflag:$0x1] =	stream.indirect.gather [hbm4b:s17+s6], $0x80, s6, s6, $0xb8;
	[tilespmem:$0x10200] =	vst v63  }
0x2a: {  	_ = 	snop  }
0x2b: {  	[tilespmem:s10], [sflag:$0x1] =	stream.indirect.gather [hbm4b:s17+s6], $0x80, s9, s6, $0xb8;
	[tilespmem:$0x10200] =	vst v63  }
0x2c: {  	_ = 	snop  }
0x2d: {  	[tilespmem:s12], [sflag:$0x1] =	stream.indirect.gather [hbm4b:s17+s6], $0x80, s11, s6, $0xb8;
	[tilespmem:$0x10200] =	vst v63  }
0x2e: {  	_ =	swait.ge [sflag:s13], $0x4000  }
0x2f: {  	[sflag:s13] =	ssyncset.done $0x0  }
0x30: {  	[sflag:s13] =	ssyncadd.s32 $0xFFFFC000  }
0x31: {  	_ =	swait.ge [sflag:s13], $0x4000  }
0x32: {  	[sflag:s13] =	ssyncset.done $0x0  }
0x33: {  	[sflag:s13] =	ssyncadd.s32 $0xFFFFC000  }
0x34: {  	_ =	swait.ge [sflag:s13], $0x4000  }
0x35: {  	[sflag:s13] =	ssyncset.done $0x0  }
0x36: {  	[sflag:s13] =	ssyncadd.s32 $0xFFFFC000  }
0x37: {  	_ =	swait.ge [sflag:s13], $0x4000  }
0x38: {  	[sflag:s13] =	ssyncset.done $0x0  }
0x39: {  	s18 =	sadd.s32 $0x352C00, s25;
	[sflag:s13] =	ssyncadd.s32 $0xFFFFC000  }
0x3a: {  	[hbm4b:s18+s2] =	stream.linear.scatter [tilespmem:s7], [sflag:$0x2], $0x10000, $0x38;
	[tilespmem:$0x10200] =	vst v63  }
0x3b: {  	_ =	swait.ge [sflag:s14], $0x10000  }
0x3c: {  	[sflag:s14] =	ssyncset.done $0x0  }
0x3d: {  	s19 =	sadd.s32 $0x3A00, s22;
	[sflag:s14] =	ssyncadd.s32 $0xFFFF0000  }
0x3e: {  	[tilespmem:s2], [sflag:$0x3] =	stream.linear.gather [hbm4b:s19+s2], $0x200, $0x38;
	[tilespmem:$0x10200] =	vst v63  }
0x3f: {  	_ =	swait.ge [sflag:s4], $0x200  }
0x40: {  	[sflag:s4] =	ssyncset.done $0x0  }
0x41: {  	s20 =	sadd.s32 $0x18BA00, s23;
	[sflag:s4] =	ssyncadd.s32 $0xFFFFFE00  }
0x42: {  	[tilespmem:s7], [sflag:$0x1] =	stream.indirect.gather [hbm4b:s20+s6], $0x80, s2, s6, $0xb8;
	[tilespmem:$0x10200] =	vst v63  }
0x43: {  	_ = 	snop  }
0x44: {  	[tilespmem:s8], [sflag:$0x1] =	stream.indirect.gather [hbm4b:s20+s6], $0x80, s6, s6, $0xb8;
	[tilespmem:$0x10200] =	vst v63  }
0x45: {  	_ = 	snop  }
0x46: {  	[tilespmem:s10], [sflag:$0x1] =	stream.indirect.gather [hbm4b:s20+s6], $0x80, s9, s6, $0xb8;
	[tilespmem:$0x10200] =	vst v63  }
0x47: {  	_ = 	snop  }
0x48: {  	[tilespmem:s12], [sflag:$0x1] =	stream.indirect.gather [hbm4b:s20+s6], $0x80, s11, s6, $0xb8;
	[tilespmem:$0x10200] =	vst v63  }
0x49: {  	_ =	swait.ge [sflag:s13], $0x4000  }
0x4a: {  	[sflag:s13] =	ssyncset.done $0x0  }
0x4b: {  	[sflag:s13] =	ssyncadd.s32 $0xFFFFC000  }
0x4c: {  	_ =	swait.ge [sflag:s13], $0x4000  }
0x4d: {  	[sflag:s13] =	ssyncset.done $0x0  }
0x4e: {  	[sflag:s13] =	ssyncadd.s32 $0xFFFFC000  }
0x4f: {  	_ =	swait.ge [sflag:s13], $0x4000  }
0x50: {  	[sflag:s13] =	ssyncset.done $0x0  }
0x51: {  	[sflag:s13] =	ssyncadd.s32 $0xFFFFC000  }
0x52: {  	_ =	swait.ge [sflag:s13], $0x4000  }
0x53: {  	[sflag:s13] =	ssyncset.done $0x0  }
0x54: {  	s21 =	sadd.s32 $0x392C00, s25;
	[sflag:s13] =	ssyncadd.s32 $0xFFFFC000  }
0x55: {  	[hbm4b:s21+s2] =	stream.linear.scatter [tilespmem:s7], [sflag:$0x2], $0x10000, $0x38;
	[tilespmem:$0x10200] =	vst v63  }
0x56: {  	_ =	swait.ge [sflag:s14], $0x10000  }
0x57: {  	[sflag:s14] =	ssyncset.done $0x0  }
0x58: {  	s22 =	sadd.s32 $0x4200, s22;
	[sflag:s14] =	ssyncadd.s32 $0xFFFF0000  }
0x59: {  	[tilespmem:s2], [sflag:$0x3] =	stream.linear.gather [hbm4b:s22+s2], $0x200, $0x38;
	[tilespmem:$0x10200] =	vst v63  }
0x5a: {  	_ =	swait.ge [sflag:s4], $0x200  }
0x5b: {  	[sflag:s4] =	ssyncset.done $0x0  }
0x5c: {  	s23 =	sadd.s32 $0x24F200, s23;
	[sflag:s4] =	ssyncadd.s32 $0xFFFFFE00  }
0x5d: {  	[tilespmem:s7], [sflag:$0x1] =	stream.indirect.gather [hbm4b:s23+s6], $0x80, s2, s6, $0xb8;
	[tilespmem:$0x10200] =	vst v63  }
0x5e: {  	_ = 	snop  }
0x5f: {  	[tilespmem:s8], [sflag:$0x1] =	stream.indirect.gather [hbm4b:s23+s6], $0x80, s6, s6, $0xb8;
	[tilespmem:$0x10200] =	vst v63  }
0x60: {  	_ = 	snop  }
0x61: {  	[tilespmem:s10], [sflag:$0x1] =	stream.indirect.gather [hbm4b:s23+s6], $0x80, s9, s6, $0xb8;
	[tilespmem:$0x10200] =	vst v63  }
0x62: {  	_ = 	snop  }
0x63: {  	[tilespmem:s12], [sflag:$0x1] =	stream.indirect.gather [hbm4b:s23+s6], $0x80, s11, s6, $0xb8;
	[tilespmem:$0x10200] =	vst v63  }
0x64: {  	_ =	swait.ge [sflag:s13], $0x4000  }
0x65: {  	[sflag:s13] =	ssyncset.done $0x0  }
0x66: {  	[sflag:s13] =	ssyncadd.s32 $0xFFFFC000  }
0x67: {  	_ =	swait.ge [sflag:s13], $0x4000  }
0x68: {  	[sflag:s13] =	ssyncset.done $0x0  }
0x69: {  	s24 =	ssub.s32 $0x2, s24;
	[sflag:s13] =	ssyncadd.s32 $0xFFFFC000  }
0x6a: {  	s26 =	sshrl.u32 s24, $0x1;
	_ =	swait.ge [sflag:s13], $0x4000  }
0x6b: {  	s26 =	ssub.s32 s24, s26;
	[sflag:s13] =	ssyncset.done $0x0  }
0x6c: {  	s31 =	smax.u32 s26, $0x1;
	[sflag:s13] =	ssyncadd.s32 $0xFFFFC000  }
0x6d: {  	p0 =	sne.s32 s31, $0x1;
	_ =	swait.ge [sflag:s13], $0x4000  }
.Ltmp0:
0x6e: {  	[sflag:s13] =	ssyncset.done $0x0;
	(pc) =	sbr.rel @!p0 .LBB2_2-.Ltmp0, $4  }
0x6f: {  	s24 =	sadd.s32 $0x3D2C00, s25;
	[sflag:s13] =	ssyncadd.s32 $0xFFFFC000  }
0x70: {  	[hbm4b:s24+s2] =	stream.linear.scatter [tilespmem:s7], [sflag:$0x2], $0x10000, $0x38;
	[tilespmem:$0x10200] =	vst v63  }
0x71: {  	_ =	swait.ge [sflag:s14], $0x10000  }
0x72: {  	s25 =	sadd.s32 $0xFFFFFFFF, s31;
	[sflag:s14] =	ssyncset.done $0x0  }
.LBB2_1:
0x73: {  	p0 =	sne.s32 s25, $0x1;
	s25 =	sadd.s32 $0xFFFFFFFF, s25;
	[sflag:s14] =	ssyncadd.s32 $0xFFFF0000  }
0x74: {  	[tilespmem:s2], [sflag:$0x3] =	stream.linear.gather [hbm4b:s3+s2], $0x200, $0x38;
	[tilespmem:$0x10200] =	vst v63  }
0x75: {  	_ =	swait.ge [sflag:s4], $0x200  }
0x76: {  	[sflag:s4] =	ssyncset.done $0x0  }
0x77: {  	[sflag:s4] =	ssyncadd.s32 $0xFFFFFE00  }
0x78: {  	[tilespmem:s7], [sflag:$0x1] =	stream.indirect.gather [hbm4b:s5+s6], $0x80, s2, s6, $0xb8;
	[tilespmem:$0x10200] =	vst v63  }
0x79: {  	_ = 	snop  }
0x7a: {  	[tilespmem:s8], [sflag:$0x1] =	stream.indirect.gather [hbm4b:s5+s6], $0x80, s6, s6, $0xb8;
	[tilespmem:$0x10200] =	vst v63  }
0x7b: {  	_ = 	snop  }
0x7c: {  	[tilespmem:s10], [sflag:$0x1] =	stream.indirect.gather [hbm4b:s5+s6], $0x80, s9, s6, $0xb8;
	[tilespmem:$0x10200] =	vst v63  }
0x7d: {  	_ = 	snop  }
0x7e: {  	[tilespmem:s12], [sflag:$0x1] =	stream.indirect.gather [hbm4b:s5+s6], $0x80, s11, s6, $0xb8;
	[tilespmem:$0x10200] =	vst v63  }
0x7f: {  	_ =	swait.ge [sflag:s13], $0x4000  }
0x80: {  	[sflag:s13] =	ssyncset.done $0x0  }
0x81: {  	[sflag:s13] =	ssyncadd.s32 $0xFFFFC000  }
0x82: {  	_ =	swait.ge [sflag:s13], $0x4000  }
0x83: {  	[sflag:s13] =	ssyncset.done $0x0  }
0x84: {  	[sflag:s13] =	ssyncadd.s32 $0xFFFFC000  }
0x85: {  	_ =	swait.ge [sflag:s13], $0x4000  }
0x86: {  	[sflag:s13] =	ssyncset.done $0x0  }
0x87: {  	[sflag:s13] =	ssyncadd.s32 $0xFFFFC000  }
0x88: {  	_ =	swait.ge [sflag:s13], $0x4000  }
0x89: {  	[sflag:s13] =	ssyncset.done $0x0  }
0x8a: {  	[sflag:s13] =	ssyncadd.s32 $0xFFFFC000  }
0x8b: {  	[hbm4b:s15+s2] =	stream.linear.scatter [tilespmem:s7], [sflag:$0x2], $0x10000, $0x38;
	[tilespmem:$0x10200] =	vst v63  }
0x8c: {  	_ =	swait.ge [sflag:s14], $0x10000  }
0x8d: {  	[sflag:s14] =	ssyncset.done $0x0  }
0x8e: {  	[sflag:s14] =	ssyncadd.s32 $0xFFFF0000  }
0x8f: {  	[tilespmem:s2], [sflag:$0x3] =	stream.linear.gather [hbm4b:s16+s2], $0x200, $0x38;
	[tilespmem:$0x10200] =	vst v63  }
0x90: {  	_ =	swait.ge [sflag:s4], $0x200  }
0x91: {  	[sflag:s4] =	ssyncset.done $0x0  }
0x92: {  	[sflag:s4] =	ssyncadd.s32 $0xFFFFFE00  }
0x93: {  	[tilespmem:s7], [sflag:$0x1] =	stream.indirect.gather [hbm4b:s17+s6], $0x80, s2, s6, $0xb8;
	[tilespmem:$0x10200] =	vst v63  }
0x94: {  	_ = 	snop  }
0x95: {  	[tilespmem:s8], [sflag:$0x1] =	stream.indirect.gather [hbm4b:s17+s6], $0x80, s6, s6, $0xb8;
	[tilespmem:$0x10200] =	vst v63  }
0x96: {  	_ = 	snop  }
0x97: {  	[tilespmem:s10], [sflag:$0x1] =	stream.indirect.gather [hbm4b:s17+s6], $0x80, s9, s6, $0xb8;
	[tilespmem:$0x10200] =	vst v63  }
0x98: {  	_ = 	snop  }
0x99: {  	[tilespmem:s12], [sflag:$0x1] =	stream.indirect.gather [hbm4b:s17+s6], $0x80, s11, s6, $0xb8;
	[tilespmem:$0x10200] =	vst v63  }
0x9a: {  	_ =	swait.ge [sflag:s13], $0x4000  }
0x9b: {  	[sflag:s13] =	ssyncset.done $0x0  }
0x9c: {  	[sflag:s13] =	ssyncadd.s32 $0xFFFFC000  }
0x9d: {  	_ =	swait.ge [sflag:s13], $0x4000  }
0x9e: {  	[sflag:s13] =	ssyncset.done $0x0  }
0x9f: {  	[sflag:s13] =	ssyncadd.s32 $0xFFFFC000  }
0xa0: {  	_ =	swait.ge [sflag:s13], $0x4000  }
0xa1: {  	[sflag:s13] =	ssyncset.done $0x0  }
0xa2: {  	[sflag:s13] =	ssyncadd.s32 $0xFFFFC000  }
0xa3: {  	_ =	swait.ge [sflag:s13], $0x4000  }
0xa4: {  	[sflag:s13] =	ssyncset.done $0x0  }
0xa5: {  	[sflag:s13] =	ssyncadd.s32 $0xFFFFC000  }
0xa6: {  	[hbm4b:s18+s2] =	stream.linear.scatter [tilespmem:s7], [sflag:$0x2], $0x10000, $0x38;
	[tilespmem:$0x10200] =	vst v63  }
0xa7: {  	_ =	swait.ge [sflag:s14], $0x10000  }
0xa8: {  	[sflag:s14] =	ssyncset.done $0x0  }
0xa9: {  	[sflag:s14] =	ssyncadd.s32 $0xFFFF0000  }
0xaa: {  	[tilespmem:s2], [sflag:$0x3] =	stream.linear.gather [hbm4b:s19+s2], $0x200, $0x38;
	[tilespmem:$0x10200] =	vst v63  }
0xab: {  	_ =	swait.ge [sflag:s4], $0x200  }
0xac: {  	[sflag:s4] =	ssyncset.done $0x0  }
0xad: {  	[sflag:s4] =	ssyncadd.s32 $0xFFFFFE00  }
0xae: {  	[tilespmem:s7], [sflag:$0x1] =	stream.indirect.gather [hbm4b:s20+s6], $0x80, s2, s6, $0xb8;
	[tilespmem:$0x10200] =	vst v63  }
0xaf: {  	_ = 	snop  }
0xb0: {  	[tilespmem:s8], [sflag:$0x1] =	stream.indirect.gather [hbm4b:s20+s6], $0x80, s6, s6, $0xb8;
	[tilespmem:$0x10200] =	vst v63  }
0xb1: {  	_ = 	snop  }
0xb2: {  	[tilespmem:s10], [sflag:$0x1] =	stream.indirect.gather [hbm4b:s20+s6], $0x80, s9, s6, $0xb8;
	[tilespmem:$0x10200] =	vst v63  }
0xb3: {  	_ = 	snop  }
0xb4: {  	[tilespmem:s12], [sflag:$0x1] =	stream.indirect.gather [hbm4b:s20+s6], $0x80, s11, s6, $0xb8;
	[tilespmem:$0x10200] =	vst v63  }
0xb5: {  	_ =	swait.ge [sflag:s13], $0x4000  }
0xb6: {  	[sflag:s13] =	ssyncset.done $0x0  }
0xb7: {  	[sflag:s13] =	ssyncadd.s32 $0xFFFFC000  }
0xb8: {  	_ =	swait.ge [sflag:s13], $0x4000  }
0xb9: {  	[sflag:s13] =	ssyncset.done $0x0  }
0xba: {  	[sflag:s13] =	ssyncadd.s32 $0xFFFFC000  }
0xbb: {  	_ =	swait.ge [sflag:s13], $0x4000  }
0xbc: {  	[sflag:s13] =	ssyncset.done $0x0  }
0xbd: {  	[sflag:s13] =	ssyncadd.s32 $0xFFFFC000  }
0xbe: {  	_ =	swait.ge [sflag:s13], $0x4000  }
0xbf: {  	[sflag:s13] =	ssyncset.done $0x0  }
0xc0: {  	[sflag:s13] =	ssyncadd.s32 $0xFFFFC000  }
0xc1: {  	[hbm4b:s21+s2] =	stream.linear.scatter [tilespmem:s7], [sflag:$0x2], $0x10000, $0x38;
	[tilespmem:$0x10200] =	vst v63  }
0xc2: {  	_ =	swait.ge [sflag:s14], $0x10000  }
0xc3: {  	[sflag:s14] =	ssyncset.done $0x0  }
0xc4: {  	[sflag:s14] =	ssyncadd.s32 $0xFFFF0000  }
0xc5: {  	[tilespmem:s2], [sflag:$0x3] =	stream.linear.gather [hbm4b:s22+s2], $0x200, $0x38;
	[tilespmem:$0x10200] =	vst v63  }
0xc6: {  	_ =	swait.ge [sflag:s4], $0x200  }
0xc7: {  	[sflag:s4] =	ssyncset.done $0x0  }
0xc8: {  	[sflag:s4] =	ssyncadd.s32 $0xFFFFFE00  }
0xc9: {  	[tilespmem:s7], [sflag:$0x1] =	stream.indirect.gather [hbm4b:s23+s6], $0x80, s2, s6, $0xb8;
	[tilespmem:$0x10200] =	vst v63  }
0xca: {  	_ = 	snop  }
0xcb: {  	[tilespmem:s8], [sflag:$0x1] =	stream.indirect.gather [hbm4b:s23+s6], $0x80, s6, s6, $0xb8;
	[tilespmem:$0x10200] =	vst v63  }
0xcc: {  	_ = 	snop  }
0xcd: {  	[tilespmem:s10], [sflag:$0x1] =	stream.indirect.gather [hbm4b:s23+s6], $0x80, s9, s6, $0xb8;
	[tilespmem:$0x10200] =	vst v63  }
0xce: {  	_ = 	snop  }
0xcf: {  	[tilespmem:s12], [sflag:$0x1] =	stream.indirect.gather [hbm4b:s23+s6], $0x80, s11, s6, $0xb8;
	[tilespmem:$0x10200] =	vst v63  }
0xd0: {  	_ =	swait.ge [sflag:s13], $0x4000  }
0xd1: {  	[sflag:s13] =	ssyncset.done $0x0  }
0xd2: {  	[sflag:s13] =	ssyncadd.s32 $0xFFFFC000  }
0xd3: {  	_ =	swait.ge [sflag:s13], $0x4000  }
0xd4: {  	[sflag:s13] =	ssyncset.done $0x0  }
0xd5: {  	[sflag:s13] =	ssyncadd.s32 $0xFFFFC000  }
0xd6: {  	_ =	swait.ge [sflag:s13], $0x4000  }
0xd7: {  	[sflag:s13] =	ssyncset.done $0x0  }
0xd8: {  	[sflag:s13] =	ssyncadd.s32 $0xFFFFC000  }
0xd9: {  	_ =	swait.ge [sflag:s13], $0x4000  }
.Ltmp1:
0xda: {  	[sflag:s13] =	ssyncset.done $0x0;
	(pc) =	sbr.rel @p0 .LBB2_1-.Ltmp1, $4  }
0xdb: {  	[sflag:s13] =	ssyncadd.s32 $0xFFFFC000  }
0xdc: {  	[hbm4b:s24+s2] =	stream.linear.scatter [tilespmem:s7], [sflag:$0x2], $0x10000, $0x38;
	[tilespmem:$0x10200] =	vst v63  }
0xdd: {  	_ =	swait.ge [sflag:s14], $0x10000  }
0xde: {  	[sflag:s14] =	ssyncset.done $0x0  }
.LBB2_2:
0xdf: {  	[sflag:s14] =	ssyncadd.s32 $0xFFFF0000  }
0xe0: {  	_ =	sfence.sel $0x180000  }
0xe1: {  	[bflag:$0x0] =	sbarrier.arrive $0xFFFF  }
0xe2: {  	p0 =	sne.s32 s0, $0x0;
	_ =	strace $0x90000047  }
0xe3: {  	s0 =	sadd.s32 @!p0 $0x100000, s1;
	[bflag:$0x2] =	sbarrier.arrive $0xFFFF  }
0xe4: {  	[sflag:s0] =	ssyncadd.tile.s32 @!p0 $0x1;
	_ =	shalt  }
.Lfunc_end2:
_tile_overlayer_lowered:
.L_overlay_start_2:
0xe5: {  	(tag) =	ssettag $0x2  }
0xe6: {  	s0 =	rddreg [dreg:$0x0];
	s2 =	stileid.u32  }
0xe7: {  	s1 =	rddreg [dreg:$0x1];
	p0 =	sne.s32 s2, $0x0  }
0xe8: {  	s3 =	rddreg [dreg:$0x2];
	[bflag:$0x3] =	sbarrier.arrive $0xFFFF;
	s2 =	simm.s32 @!p0 $0x1C03  }
0xe9: {  	[timem:s3], [sflag:s2] =	dma.local @!p0 [hbm:s0], s1  }
0xea: {  	s0 =	simm.s32 @!p0 $0x3  }
0xeb: {  	_ =	swait.ge @!p0 [sflag:s0], s1  }
0xec: {  	s1 =	ssub.s32 @!p0 $0x0, s1;
	[sflag:s0] =	ssyncset.done @!p0 $0x0  }
0xed: {  	[sflag:s0] =	ssyncadd.s32 @!p0 s1  }
0xee: {  	[bflag:$0x3] =	sbarrier.arrive $0xFFFF  }
0xef: {  	_ =	shalt  }

</sc_bundles>
